<compile_context>
chip_gen: v7x
topology: tpu7x:2x2x1
jax: 0.10.2.dev20260603
libtpu: 0.0.44.dev20260713+nightly
codegen_flags: <defaults>
</compile_context>

<pallas_src>
import functools
import math

import jax
import jax.numpy as jnp
from jax import lax
from jax.experimental import pallas as pl
from jax.experimental.pallas import tpu as pltpu
from jax.experimental.pallas import tpu_sc as plsc

_B, _S, _V, _D, _R, _W, _K = 1, 2048, 32000, 512, 64, 32, 16
_T = 256
_NT = _S // _T
_BV = 1280

_NEG = float("-inf")


def _mxm(a, b, dims):
    return lax.dot_general(a.astype(jnp.bfloat16), b.astype(jnp.bfloat16),
                           (dims, ((), ())),
                           preferred_element_type=jnp.float32)


def _mxf(a, b, dims):
    return lax.dot_general(a, b, (dims, ((), ())),
                           preferred_element_type=jnp.float32,
                           precision=lax.Precision.HIGHEST)


def _split3(x):
    x1 = x.astype(jnp.bfloat16)
    r1 = x - x1.astype(jnp.float32)
    x2 = r1.astype(jnp.bfloat16)
    r2 = r1 - x2.astype(jnp.float32)
    return x1, x2, r2.astype(jnp.bfloat16)


def _mxf_t(a, b):
    a1, a2, a3 = _split3(a)
    b1, b2, b3 = _split3(b)
    dims = (((1,), (1,)), ((), ()))

    def dd(x, y):
        return lax.dot_general(x, y, dims,
                               preferred_element_type=jnp.float32)

    return (dd(a1, b1) + (dd(a1, b2) + dd(a2, b1))
            + (dd(a1, b3) + dd(a2, b2) + dd(a3, b1)))


def _layer_norm(x, g, b):
    m = jnp.mean(x, axis=-1, keepdims=True)
    v = jnp.mean((x - m) * (x - m), axis=-1, keepdims=True)
    return (x - m) * lax.rsqrt(v + 1e-5) * g + b


def _windowed_layer(xw_ref, xp_ref, kp_ref, U, Vm, g, b):
    bi = lax.broadcasted_iota(jnp.int32, (_T, _T + _W), 0)
    bj = lax.broadcasted_iota(jnp.int32, (_T, _T + _W), 1)
    band = (bj >= bi + 1) & (bj <= bi + _W)
    inv_sqrt_r = 1.0 / math.sqrt(float(_R))

    def body(t, carry):
        s0 = t * _T
        xt = xw_ref[pl.ds(s0, _T), :]
        xn = _layer_norm(xt, g, b)
        xp_ref[pl.ds(s0 + _W, _T), :] = xn
        kp_ref[pl.ds(s0 + _W, _T), :] = _mxf(xn, Vm, ((1,), (0,)))
        q = _mxf(xn, U, ((1,), (0,)))
        kext = kp_ref[pl.ds(s0, _T + _W), :]
        xext = xp_ref[pl.ds(s0, _T + _W), :]
        s = _mxf_t(q, kext) * inv_sqrt_r
        valid = band & ((bj + s0) >= _W)
        sm = jnp.where(valid, s, 0.0)
        a = jnp.where(valid, jnp.abs(s), _NEG)
        mx = jnp.max(a, axis=-1, keepdims=True)
        e = jnp.exp(a - mx)
        w = e / jnp.sum(e, axis=-1, keepdims=True) * jnp.sign(sm)
        delta = _mxf(w, xext, ((1,), (0,)))
        xw_ref[pl.ds(s0, _T), :] = xt + delta
        return carry

    lax.fori_loop(0, _NT, body, 0)


def _topk_read(q, keys, vals, select):
    n = keys.shape[0]
    s = _mxf_t(q, keys) / math.sqrt(float(_D))
    if select:
        colid = lax.broadcasted_iota(jnp.int32, s.shape, 1)

        def pick(i, carry):
            cur, sel = carry
            m = jnp.max(cur, axis=-1, keepdims=True)
            eq = cur >= m
            cand = jnp.where(eq, colid, n)
            amin = jnp.min(cand, axis=-1, keepdims=True)
            first = colid == amin
            return (jnp.where(first, _NEG, cur),
                    jnp.where(first, 1.0, sel))

        _, sel = lax.fori_loop(0, _K, pick, (s, jnp.zeros_like(s)))
        a = jnp.where(sel > 0.5, s, _NEG)
    else:
        a = s
    mx = jnp.max(a, axis=-1, keepdims=True)
    e = jnp.exp(a - mx)
    w = e / jnp.sum(e, axis=-1, keepdims=True)
    return _mxf(w, vals, ((1,), (0,)))


def _trunk_kernel(x_ref, sU1, sV1, sg1, sb1, sU2, sV2, sg2, sb2,
                  routeW, mk0, mv0, mk1, mv1, mk2, mv2, projW, lng, lnb,
                  pU1, pV1, pg1, pb1, pU2, pV2, pg2, pb2, outg, outb,
                  out_ref, xw_ref, xp_ref, kp_ref):
    xw_ref[...] = x_ref[...]
    xp_ref[0:_W, :] = jnp.zeros((_W, _D), jnp.float32)
    kp_ref[0:_W, :] = jnp.zeros((_W, _R), jnp.float32)

    _windowed_layer(xw_ref, xp_ref, kp_ref, sU1[...], sV1[...],
                    sg1[...], sb1[...])
    _windowed_layer(xw_ref, xp_ref, kp_ref, sU2[...], sV2[...],
                    sg2[...], sb2[...])

    def mem_body(t, carry):
        s0 = t * _T
        xt = xw_ref[pl.ds(s0, _T), :]
        q = _mxf(xt, routeW[...], ((1,), (0,))).astype(
            jnp.bfloat16).astype(jnp.float32)
        mm = (_topk_read(q, mk0[...], mv0[...], True)
              + _topk_read(q, mk1[...], mv1[...], True)
              + _topk_read(q, mk2[...], mv2[...], False))
        h = xt + _mxf(xt, projW[...], ((1,), (0,))) + mm
        xw_ref[pl.ds(s0, _T), :] = _layer_norm(h, lng[...], lnb[...])
        return carry

    lax.fori_loop(0, _NT, mem_body, 0)

    _windowed_layer(xw_ref, xp_ref, kp_ref, pU1[...], pV1[...],
                    pg1[...], pb1[...])
    _windowed_layer(xw_ref, xp_ref, kp_ref, pU2[...], pV2[...],
                    pg2[...], pb2[...])

    def out_body(t, carry):
        s0 = t * _T
        out_ref[pl.ds(s0, _T), :] = _layer_norm(
            xw_ref[pl.ds(s0, _T), :], outg[...], outb[...])
        return carry

    lax.fori_loop(0, _NT, out_body, 0)


_trunk_call = pl.pallas_call(
    _trunk_kernel,
    out_shape=jax.ShapeDtypeStruct((_S, _D), jnp.float32),
    scratch_shapes=[pltpu.VMEM((_S, _D), jnp.float32),
                    pltpu.VMEM((_S + _W, _D), jnp.float32),
                    pltpu.VMEM((_S + _W, _R), jnp.float32)],
)


def _head_kernel(h_ref, emb_ref, o_ref):
    o_ref[...] = _mxm(h_ref[...], emb_ref[...], ((1,), (1,)))


_head_call = pl.pallas_call(
    _head_kernel,
    grid=(_V // _BV,),
    in_specs=[pl.BlockSpec((_S, _D), lambda v: (0, 0)),
              pl.BlockSpec((_BV, _D), lambda v: (v, 0))],
    out_specs=pl.BlockSpec((_S, _BV), lambda v: (0, v)),
    out_shape=jax.ShapeDtypeStruct((_S, _V), jnp.float32),
    compiler_params=pltpu.CompilerParams(
        dimension_semantics=("arbitrary",)),
)


def _sc_gather(table, ids):
    info = plsc.get_sparse_core_info()
    nc, ns = info.num_cores, info.num_subcores
    nw = nc * ns
    bpw = _S // nw
    mesh = plsc.VectorSubcoreMesh(core_axis_name="c", subcore_axis_name="s")

    @functools.partial(
        pl.kernel, mesh=mesh,
        out_type=jax.ShapeDtypeStruct((_S, _D), jnp.float32),
        scratch_types=[pltpu.VMEM((bpw,), jnp.int32),
                       pltpu.VMEM((bpw, _D), jnp.float32),
                       pltpu.SemaphoreType.DMA])
    def gather(table_hbm, idx_hbm, out_hbm, idx_v, rows_v, sem):
        wid = lax.axis_index("s") * nc + lax.axis_index("c")
        base = wid * bpw
        pltpu.sync_copy(idx_hbm.at[pl.ds(base, bpw)], idx_v)
        pltpu.async_copy(table_hbm.at[idx_v], rows_v, sem).wait()
        pltpu.sync_copy(rows_v, out_hbm.at[pl.ds(base, bpw)])

    return gather(table, ids)


def kernel(input_ids, emb, s_U1, s_V1, s_g1, s_b1, s_U2, s_V2, s_g2, s_b2,
           route_W, mk0, mv0, mk1, mv1, mk2, mv2, proj_W, ln_in_g, ln_in_b,
           p_U1, p_V1, p_g1, p_b1, p_U2, p_V2, p_g2, p_b2, out_g, out_b):
    ids = input_ids.reshape(_S).astype(jnp.int32)
    x0 = _sc_gather(emb, ids)
    r2 = lambda v: v.reshape(1, _D)
    h = _trunk_call(x0, s_U1, s_V1, r2(s_g1), r2(s_b1),
                    s_U2, s_V2, r2(s_g2), r2(s_b2),
                    route_W, mk0, mv0, mk1, mv1, mk2, mv2, proj_W,
                    r2(ln_in_g), r2(ln_in_b),
                    p_U1, p_V1, r2(p_g1), r2(p_b1),
                    p_U2, p_V2, r2(p_g2), r2(p_b2),
                    r2(out_g), r2(out_b))
    logits = _head_call(h, emb)
    return logits.reshape(_B, _S, _V)

# --- scband reference (transcript-rebuilt; emitter-appended) ---
"""Pipeline reference for scband-causal-hierarchical-memory-lm-72971494359525 (READ-ONLY COPY).

The authoritative reference and input builder live on the scoring server;
editing this copy changes nothing except your own understanding.
"""

import jax, jax.numpy as jnp
import numpy as np

B, S, V, D, R, W, K = 1, 2048, 32000, 512, 64, 32, 16
STD = 0.02


def _ln(x, g, b):
    m = jnp.mean(x, axis=-1, keepdims=True)
    v = jnp.var(x, axis=-1, keepdims=True)
    return (x - m) * jax.lax.rsqrt(v + 1e-5) * g + b


def _windowed_delta(x, U, Vm, window):
    # causal windowed low-rank-bilinear propagation with signed-abs-softmax edges
    Sl = x.shape[1]
    q = x @ U
    k = x @ Vm
    idx = jnp.arange(Sl)[:, None] - jnp.arange(window)[None, :]  # [S, W]
    valid = idx >= 0
    idxc = jnp.maximum(idx, 0)
    kg = k[:, idxc]   # gather: [B, S, W, R]
    vg = x[:, idxc]   # gather: [B, S, W, D]
    s = jnp.einsum('bsr,bswr->bsw', q, kg) / jnp.sqrt(float(U.shape[1]))
    s = jnp.where(valid[None], s, 0.0)
    a = jnp.where(valid[None], jnp.abs(s), -jnp.inf)
    w = jax.nn.softmax(a, axis=-1) * jnp.sign(s)
    return jnp.einsum('bsw,bswd->bsd', w, vg)


def _memory_read(x, route_W, keys, vals, topk):
    # kNN retrieval against a hierarchical memory level
    q = x @ route_W
    scores = (q @ keys.T) / jnp.sqrt(float(x.shape[-1]))
    ts, ti = jax.lax.top_k(scores, topk)      # top-k routing
    w = jax.nn.softmax(ts, axis=-1)
    vg = vals[ti]                              # gather: [B, S, K, D]
    return jnp.einsum('bsk,bskd->bsd', w, vg)


def setup_inputs(seed: int = 0) -> dict:
    key = jax.random.key(seed)
    ks = list(jax.random.split(key, 32))
    n = lambda i, shape: jax.random.normal(ks[i], shape, dtype=jnp.float32) * STD
    ones = jnp.ones((D,), dtype=jnp.float32)
    zeros = jnp.zeros((D,), dtype=jnp.float32)
    inp = {
        'input_ids': jax.random.randint(ks[0], (B, S), 0, V),
        'emb': n(1, (V, D)),
        's_U1': n(2, (D, R)), 's_V1': n(3, (D, R)), 's_g1': ones, 's_b1': zeros,
        's_U2': n(4, (D, R)), 's_V2': n(5, (D, R)), 's_g2': ones, 's_b2': zeros,
        'route_W': n(6, (D, D)),
        'mk0': n(7, (256, D)), 'mv0': n(8, (256, D)),
        'mk1': n(9, (64, D)), 'mv1': n(10, (64, D)),
        'mk2': n(11, (16, D)), 'mv2': n(12, (16, D)),
        'proj_W': n(13, (D, D)),
        'ln_in_g': ones, 'ln_in_b': zeros,
        'p_U1': n(14, (D, R)), 'p_V1': n(15, (D, R)), 'p_g1': ones, 'p_b1': zeros,
        'p_U2': n(16, (D, R)), 'p_V2': n(17, (D, R)), 'p_g2': ones, 'p_b2': zeros,
        'out_g': ones, 'out_b': zeros,
    }
    return inp


def reference(input_ids, emb, s_U1, s_V1, s_g1, s_b1, s_U2, s_V2, s_g2, s_b2,
              route_W, mk0, mv0, mk1, mv1, mk2, mv2, proj_W, ln_in_g, ln_in_b,
              p_U1, p_V1, p_g1, p_b1, p_U2, p_V2, p_g2, p_b2, out_g, out_b):
    # token embedding (gather)
    x = jnp.take(emb, input_ids, axis=0)
    # S-module: causal windowed sequence layers
    x = x + _windowed_delta(_ln(x, s_g1, s_b1), s_U1, s_V1, W)
    x = x + _windowed_delta(_ln(x, s_g2, s_b2), s_U2, s_V2, W)
    # B-module: hierarchical memory kNN retrieval across 3 levels
    m = (_memory_read(x, route_W, mk0, mv0, K)
         + _memory_read(x, route_W, mk1, mv1, K)
         + _memory_read(x, route_W, mk2, mv2, K))
    # prediction input projection + norm
    h = _ln(x + x @ proj_W + m, ln_in_g, ln_in_b)
    # prediction layers: windowed sparse propagation
    h = h + _windowed_delta(_ln(h, p_g1, p_b1), p_U1, p_V1, W)
    h = h + _windowed_delta(_ln(h, p_g2, p_b2), p_U2, p_V2, W)
    h = _ln(h, out_g, out_b)
    # tied embedding head
    logits = h @ emb.T
    return logits

if __name__ == "__main__":
    import jax
    _d = setup_inputs()
    print(jax.jit(kernel)(*tuple(_d.values())))

</pallas_src>

<mosaic_0001>
#map = affine_map<(d0, d1) -> (0, 0)>
#map1 = affine_map<(d0, d1) -> (0)>
module attributes {stable_mosaic.version = 14 : i64} {
  func.func @gather(%arg0: i32, %arg1: i32, %arg2: memref<32000x512xf32, #tpu.memory_space<hbm>>, %arg3: memref<2048xi32, #tpu.memory_space<hbm>>, %arg4: memref<2048x512xf32, #tpu.memory_space<hbm>>, %arg5: memref<64xi32, #tpu.memory_space<vmem>>, %arg6: memref<64x512xf32, #tpu.memory_space<vmem>>, %arg7: memref<!tpu.dma_semaphore, #tpu.memory_space<semaphore_mem>>) attributes {dimension_semantics = [#tpu.dimension_semantics<core_parallel>, #tpu.dimension_semantics<subcore_parallel>], iteration_bounds = array<i64: 2, 16>, scalar_prefetch = 0 : i64, scratch_operands = 3 : i64, tpu.core_type = #tpu.core_type<sc_vector_subcore>, window_params = [{transform_indices = #map}, {transform_indices = #map1}, {transform_indices = #map}]} {
    %mul3A = arith.constant 2 : i32
    %mul3A_0 = arith.muli %arg1, %mul3A : i32
    %add3A = arith.addi %mul3A_0, %arg0 : i32
    %mul3A_1 = arith.constant 64 : i32
    %mul3A_2 = arith.muli %add3A, %mul3A_1 : i32
    "tpu.region"() ({
      %run_scoped3A = tpu.sem_alloc : memref<!tpu.dma_semaphore, #tpu.memory_space<semaphore_mem>>
      %dma_start3A_7 = tpu.memref_slice %arg3[%mul3A_2] : memref<2048xi32, #tpu.memory_space<hbm>> -> memref<64xi32, #tpu.memory_space<hbm>>
      %dma_start3A_8 = tpu.memref_slice %arg3[%mul3A_2] : memref<2048xi32, #tpu.memory_space<hbm>> -> memref<64xi32, #tpu.memory_space<hbm>>
      tpu.enqueue_dma source(%dma_start3A_8 : memref<64xi32, #tpu.memory_space<hbm>>) target(%arg5 : memref<64xi32, #tpu.memory_space<vmem>>) target_semaphore(%run_scoped3A : memref<!tpu.dma_semaphore, #tpu.memory_space<semaphore_mem>>)
      %dma_wait3A_9 = tpu.memref_slice %arg3[%mul3A_2] : memref<2048xi32, #tpu.memory_space<hbm>> -> memref<64xi32, #tpu.memory_space<hbm>>
      %dma_wait3A_10 = tpu.memref_slice %arg3[%mul3A_2] : memref<2048xi32, #tpu.memory_space<hbm>> -> memref<64xi32, #tpu.memory_space<hbm>>
      tpu.wait_dma2 semaphore(%run_scoped3A : memref<!tpu.dma_semaphore, #tpu.memory_space<semaphore_mem>>) src(%dma_wait3A_10 : memref<64xi32, #tpu.memory_space<hbm>>) dst(%arg5 : memref<64xi32, #tpu.memory_space<vmem>>)
      tpu.yield
    }) : () -> ()
    %dma_start3A = arith.constant 0 : i32
    %dma_start3A_3 = arith.constant 0 : i32
    %dma_start3A_4 = tpu.memref_slice %arg2[%dma_start3A, %dma_start3A_3] : memref<32000x512xf32, #tpu.memory_space<hbm>> -> memref<32000x512xf32, #tpu.memory_space<hbm>>
    tpu.enqueue_indirect_dma source(%dma_start3A_4 : memref<32000x512xf32, #tpu.memory_space<hbm>>) target(%arg6 : memref<64x512xf32, #tpu.memory_space<vmem>>) offsets(%arg5 : memref<64xi32, #tpu.memory_space<vmem>>) semaphore(%arg7 : memref<!tpu.dma_semaphore, #tpu.memory_space<semaphore_mem>>)
    %dma_wait3A = arith.constant 0 : i32
    %dma_wait3A_5 = arith.constant 0 : i32
    %dma_wait3A_6 = tpu.memref_slice %arg2[%dma_wait3A, %dma_wait3A_5] : memref<32000x512xf32, #tpu.memory_space<hbm>> -> memref<32000x512xf32, #tpu.memory_space<hbm>>
    tpu.wait_indirect_dma semaphore(%arg7 : memref<!tpu.dma_semaphore, #tpu.memory_space<semaphore_mem>>) src(%dma_wait3A_6 : memref<32000x512xf32, #tpu.memory_space<hbm>>) dst(%arg6 : memref<64x512xf32, #tpu.memory_space<vmem>>)
    "tpu.region"() ({
      %run_scoped3A = tpu.sem_alloc : memref<!tpu.dma_semaphore, #tpu.memory_space<semaphore_mem>>
      %dma_start3A_7 = arith.constant 0 : i32
      %dma_start3A_8 = tpu.memref_slice %arg4[%mul3A_2, %dma_start3A_7] : memref<2048x512xf32, #tpu.memory_space<hbm>> -> memref<64x512xf32, #tpu.memory_space<hbm>>
      %dma_start3A_9 = arith.constant 0 : i32
      %dma_start3A_10 = tpu.memref_slice %arg4[%mul3A_2, %dma_start3A_9] : memref<2048x512xf32, #tpu.memory_space<hbm>> -> memref<64x512xf32, #tpu.memory_space<hbm>>
      tpu.enqueue_dma source(%arg6 : memref<64x512xf32, #tpu.memory_space<vmem>>) target(%dma_start3A_10 : memref<64x512xf32, #tpu.memory_space<hbm>>) target_semaphore(%run_scoped3A : memref<!tpu.dma_semaphore, #tpu.memory_space<semaphore_mem>>)
      %dma_wait3A_11 = arith.constant 0 : i32
      %dma_wait3A_12 = tpu.memref_slice %arg4[%mul3A_2, %dma_wait3A_11] : memref<2048x512xf32, #tpu.memory_space<hbm>> -> memref<64x512xf32, #tpu.memory_space<hbm>>
      %dma_wait3A_13 = arith.constant 0 : i32
      %dma_wait3A_14 = tpu.memref_slice %arg4[%mul3A_2, %dma_wait3A_13] : memref<2048x512xf32, #tpu.memory_space<hbm>> -> memref<64x512xf32, #tpu.memory_space<hbm>>
      tpu.wait_dma2 semaphore(%run_scoped3A : memref<!tpu.dma_semaphore, #tpu.memory_space<semaphore_mem>>) src(%arg6 : memref<64x512xf32, #tpu.memory_space<vmem>>) dst(%dma_wait3A_14 : memref<64x512xf32, #tpu.memory_space<hbm>>)
      tpu.yield
    }) : () -> ()
    return
  }
}

module attributes {stable_mosaic.version = 14 : i64} {
  func.func @_head_kernel(%arg0: i32, %arg1: memref<2048x512xf32, #tpu.memory_space<vmem>>, %arg2: memref<1280x512xf32, #tpu.memory_space<vmem>>, %arg3: memref<2048x1280xf32, #tpu.memory_space<vmem>>) attributes {dimension_semantics = [#tpu.dimension_semantics<arbitrary>], iteration_bounds = array<i64: 25>, scalar_prefetch = 0 : i64, scratch_operands = 0 : i64, tpu.core_type = #tpu.core_type<tc>, window_params = [{pipeline_mode = #tpu.pipeline_mode<synchronous>, transform_indices = @transform_0, window_bounds = array<i64: 2048, 512>}, {transform_indices = @transform_1, window_bounds = array<i64: 1280, 512>}, {transform_indices = @transform_2, window_bounds = array<i64: 2048, 1280>}]} {
    %get3A = arith.constant 0 : index
    %get3A_0 = arith.constant 0 : index
    %get3A_1 = vector.load %arg1[%get3A, %get3A_0] : memref<2048x512xf32, #tpu.memory_space<vmem>>, vector<2048x512xf32>
    %get3A_2 = arith.constant 0 : index
    %get3A_3 = arith.constant 0 : index
    %get3A_4 = vector.load %arg2[%get3A_2, %get3A_3] : memref<1280x512xf32, #tpu.memory_space<vmem>>, vector<1280x512xf32>
    %convert_element_type3A = arith.truncf %get3A_1 : vector<2048x512xf32> to vector<2048x512xbf16>
    %convert_element_type3A_5 = arith.truncf %get3A_4 : vector<1280x512xf32> to vector<1280x512xbf16>
    %dot_general3A = arith.constant dense<0.000000e+00> : vector<2048x1280xf32>
    %dot_general3A_6 = tpu.matmul %convert_element_type3A, %convert_element_type3A_5, %dot_general3A {dimension_numbers = #tpu.dot_dimension_numbers<[1], [1], [0], [0], [0, 0, 1, 0], [], []>, transpose_lhs_hint = false} : vector<2048x512xbf16>, vector<1280x512xbf16>, vector<2048x1280xf32> -> vector<2048x1280xf32>
    %swap3A = arith.constant 0 : index
    %swap3A_7 = arith.constant 0 : index
    %swap3A_8 = vector.load %arg3[%swap3A, %swap3A_7] : memref<2048x1280xf32, #tpu.memory_space<vmem>>, vector<2048x1280xf32>
    tpu.vector_store %arg3[%swap3A, %swap3A_7], %dot_general3A_6 {strides = array<i32>} : memref<2048x1280xf32, #tpu.memory_space<vmem>>, vector<2048x1280xf32>,
    return
  }
  func.func @transform_0(%arg0: i32) -> (i32, i32) {
    %c0_i32 = arith.constant 0 : i32
    %c0_i32_0 = arith.constant 0 : i32
    %c0_i32_1 = arith.constant 0 : i32
    return %c0_i32, %c0_i32_0 : i32, i32
  }
  func.func @transform_1(%arg0: i32) -> (i32, i32) {
    %c0_i32 = arith.constant 0 : i32
    %c0_i32_0 = arith.constant 0 : i32
    return %arg0, %c0_i32 : i32, i32
  }
  func.func @transform_2(%arg0: i32) -> (i32, i32) {
    %c0_i32 = arith.constant 0 : i32
    %c0_i32_0 = arith.constant 0 : i32
    return %c0_i32, %arg0 : i32, i32
  }
}

module attributes {stable_mosaic.version = 14 : i64} {
  func.func @_trunk_kernel(%arg0: memref<2048x512xf32, #tpu.memory_space<vmem>>, %arg1: memref<512x64xf32, #tpu.memory_space<vmem>>, %arg2: memref<512x64xf32, #tpu.memory_space<vmem>>, %arg3: memref<1x512xf32, #tpu.memory_space<vmem>>, %arg4: memref<1x512xf32, #tpu.memory_space<vmem>>, %arg5: memref<512x64xf32, #tpu.memory_space<vmem>>, %arg6: memref<512x64xf32, #tpu.memory_space<vmem>>, %arg7: memref<1x512xf32, #tpu.memory_space<vmem>>, %arg8: memref<1x512xf32, #tpu.memory_space<vmem>>, %arg9: memref<512x512xf32, #tpu.memory_space<vmem>>, %arg10: memref<256x512xf32, #tpu.memory_space<vmem>>, %arg11: memref<256x512xf32, #tpu.memory_space<vmem>>, %arg12: memref<64x512xf32, #tpu.memory_space<vmem>>, %arg13: memref<64x512xf32, #tpu.memory_space<vmem>>, %arg14: memref<16x512xf32, #tpu.memory_space<vmem>>, %arg15: memref<16x512xf32, #tpu.memory_space<vmem>>, %arg16: memref<512x512xf32, #tpu.memory_space<vmem>>, %arg17: memref<1x512xf32, #tpu.memory_space<vmem>>, %arg18: memref<1x512xf32, #tpu.memory_space<vmem>>, %arg19: memref<512x64xf32, #tpu.memory_space<vmem>>, %arg20: memref<512x64xf32, #tpu.memory_space<vmem>>, %arg21: memref<1x512xf32, #tpu.memory_space<vmem>>, %arg22: memref<1x512xf32, #tpu.memory_space<vmem>>, %arg23: memref<512x64xf32, #tpu.memory_space<vmem>>, %arg24: memref<512x64xf32, #tpu.memory_space<vmem>>, %arg25: memref<1x512xf32, #tpu.memory_space<vmem>>, %arg26: memref<1x512xf32, #tpu.memory_space<vmem>>, %arg27: memref<1x512xf32, #tpu.memory_space<vmem>>, %arg28: memref<1x512xf32, #tpu.memory_space<vmem>>, %arg29: memref<2048x512xf32, #tpu.memory_space<vmem>>, %arg30: memref<2048x512xf32, #tpu.memory_space<vmem>>, %arg31: memref<2080x512xf32, #tpu.memory_space<vmem>>, %arg32: memref<2080x64xf32, #tpu.memory_space<vmem>>) attributes {dimension_semantics = [], scalar_prefetch = 0 : i64, scratch_operands = 3 : i64, tpu.core_type = #tpu.core_type<tc>} {
    %get3A = arith.constant 0 : index
    %get3A_0 = arith.constant 0 : index
    %get3A_1 = vector.load %arg0[%get3A, %get3A_0] : memref<2048x512xf32, #tpu.memory_space<vmem>>, vector<2048x512xf32>
    %swap3A = arith.constant 0 : index
    %swap3A_2 = arith.constant 0 : index
    %swap3A_3 = vector.load %arg30[%swap3A, %swap3A_2] : memref<2048x512xf32, #tpu.memory_space<vmem>>, vector<2048x512xf32>
    tpu.vector_store %arg30[%swap3A, %swap3A_2], %get3A_1 {strides = array<i32>} : memref<2048x512xf32, #tpu.memory_space<vmem>>, vector<2048x512xf32>,
    %broadcast_in_dim3A = arith.constant 0.000000e+00 : f32
    %broadcast_in_dim3A_4 = vector.broadcast %broadcast_in_dim3A : f32 to vector<32x512xf32>
    %swap3A_5 = arith.constant 0 : index
    %swap3A_6 = arith.constant 0 : index
    %swap3A_7 = vector.load %arg31[%swap3A_5, %swap3A_6] : memref<2080x512xf32, #tpu.memory_space<vmem>>, vector<32x512xf32>
    tpu.vector_store %arg31[%swap3A_5, %swap3A_6], %broadcast_in_dim3A_4 {strides = array<i32>} : memref<2080x512xf32, #tpu.memory_space<vmem>>, vector<32x512xf32>,
    %broadcast_in_dim3A_8 = arith.constant 0.000000e+00 : f32
    %broadcast_in_dim3A_9 = vector.broadcast %broadcast_in_dim3A_8 : f32 to vector<32x64xf32>
    %swap3A_10 = arith.constant 0 : index
    %swap3A_11 = arith.constant 0 : index
    %swap3A_12 = vector.load %arg32[%swap3A_10, %swap3A_11] : memref<2080x64xf32, #tpu.memory_space<vmem>>, vector<32x64xf32>
    tpu.vector_store %arg32[%swap3A_10, %swap3A_11], %broadcast_in_dim3A_9 {strides = array<i32>} : memref<2080x64xf32, #tpu.memory_space<vmem>>, vector<32x64xf32>,
    %get3A_13 = arith.constant 0 : index
    %get3A_14 = arith.constant 0 : index
    %get3A_15 = vector.load %arg1[%get3A_13, %get3A_14] : memref<512x64xf32, #tpu.memory_space<vmem>>, vector<512x64xf32>
    %get3A_16 = arith.constant 0 : index
    %get3A_17 = arith.constant 0 : index
    %get3A_18 = vector.load %arg2[%get3A_16, %get3A_17] : memref<512x64xf32, #tpu.memory_space<vmem>>, vector<512x64xf32>
    %get3A_19 = arith.constant 0 : index
    %get3A_20 = arith.constant 0 : index
    %get3A_21 = vector.load %arg3[%get3A_19, %get3A_20] : memref<1x512xf32, #tpu.memory_space<vmem>>, vector<1x512xf32>
    %get3A_22 = arith.constant 0 : index
    %get3A_23 = arith.constant 0 : index
    %get3A_24 = vector.load %arg4[%get3A_22, %get3A_23] : memref<1x512xf32, #tpu.memory_space<vmem>>, vector<1x512xf32>
    %iota3A = tpu.iota {dimensions = array<i32: 0>} : vector<256x288xi32>
    %iota3A_25 = tpu.iota {dimensions = array<i32: 1>} : vector<256x288xi32>
    %add3A = arith.constant 1 : i32
    %add3A_26 = vector.broadcast %add3A : i32 to vector<256x288xi32>
    %add3A_27 = arith.addi %iota3A, %add3A_26 : vector<256x288xi32>
    %ge3A = arith.cmpi sge, %iota3A_25, %add3A_27 : vector<256x288xi32>
    %add3A_28 = arith.constant 32 : i32
    %add3A_29 = vector.broadcast %add3A_28 : i32 to vector<256x288xi32>
    %add3A_30 = arith.addi %iota3A, %add3A_29 : vector<256x288xi32>
    %le3A = arith.cmpi sle, %iota3A_25, %add3A_30 : vector<256x288xi32>
    %and3A = arith.andi %ge3A, %le3A : vector<256x288xi1>
    %scan3A = arith.constant 0 : i32
    %scan3A_31 = arith.constant 8 : i32
    %scan3A_32 = arith.addi %scan3A, %scan3A_31 : i32
    %scan3A_33 = arith.constant 1 : i32
    scf.for %scan3A_129 = %scan3A to %scan3A_32 step %scan3A_33  : i32 {
      %mul3A = arith.constant 256 : i32
      %mul3A_130 = arith.muli %scan3A_129, %mul3A : i32
      %get3A_131 = arith.index_cast %mul3A_130 : i32 to index
      %get3A_132 = arith.constant 0 : index
      %get3A_133 = vector.load %arg30[%get3A_131, %get3A_132] : memref<2048x512xf32, #tpu.memory_space<vmem>>, vector<256x512xf32>
      %reduce_sum3A = arith.constant dense<0.000000e+00> : vector<256xf32>
      %reduce_sum3A_134 = vector.multi_reduction <add>, %get3A_133, %reduce_sum3A [1] : vector<256x512xf32> to vector<256xf32>
      %broadcast_in_dim3A_135 = vector.shape_cast %reduce_sum3A_134 : vector<256xf32> to vector<256x1xf32>
      %div3A = arith.constant 5.120000e+02 : f32
      %div3A_136 = vector.broadcast %div3A : f32 to vector<256x1xf32>
      %div3A_137 = arith.divf %broadcast_in_dim3A_135, %div3A_136 : vector<256x1xf32>
      %sub3A = vector.broadcast %div3A_137 : vector<256x1xf32> to vector<256x512xf32>
      %sub3A_138 = arith.subf %get3A_133, %sub3A : vector<256x512xf32>
      %sub3A_139 = vector.broadcast %div3A_137 : vector<256x1xf32> to vector<256x512xf32>
      %sub3A_140 = arith.subf %get3A_133, %sub3A_139 : vector<256x512xf32>
      %mul3A_141 = arith.mulf %sub3A_138, %sub3A_140 : vector<256x512xf32>
      %reduce_sum3A_142 = arith.constant dense<0.000000e+00> : vector<256xf32>
      %reduce_sum3A_143 = vector.multi_reduction <add>, %mul3A_141, %reduce_sum3A_142 [1] : vector<256x512xf32> to vector<256xf32>
      %broadcast_in_dim3A_144 = vector.shape_cast %reduce_sum3A_143 : vector<256xf32> to vector<256x1xf32>
      %div3A_145 = arith.constant 5.120000e+02 : f32
      %div3A_146 = vector.broadcast %div3A_145 : f32 to vector<256x1xf32>
      %div3A_147 = arith.divf %broadcast_in_dim3A_144, %div3A_146 : vector<256x1xf32>
      %sub3A_148 = vector.broadcast %div3A_137 : vector<256x1xf32> to vector<256x512xf32>
      %sub3A_149 = arith.subf %get3A_133, %sub3A_148 : vector<256x512xf32>
      %add3A_150 = arith.constant 9.99999974E-6 : f32
      %add3A_151 = vector.broadcast %add3A_150 : f32 to vector<256x1xf32>
      %add3A_152 = arith.addf %div3A_147, %add3A_151 : vector<256x1xf32>
      %rsqrt3A = math.rsqrt %add3A_152 : vector<256x1xf32>
      %mul3A_153 = vector.broadcast %rsqrt3A : vector<256x1xf32> to vector<256x512xf32>
      %mul3A_154 = arith.mulf %sub3A_149, %mul3A_153 : vector<256x512xf32>
      %mul3A_155 = vector.broadcast %get3A_21 : vector<1x512xf32> to vector<256x512xf32>
      %mul3A_156 = arith.mulf %mul3A_154, %mul3A_155 : vector<256x512xf32>
      %add3A_157 = vector.broadcast %get3A_24 : vector<1x512xf32> to vector<256x512xf32>
      %add3A_158 = arith.addf %mul3A_156, %add3A_157 : vector<256x512xf32>
      %add3A_159 = arith.constant 32 : i32
      %add3A_160 = arith.addi %mul3A_130, %add3A_159 : i32
      %swap3A_161 = arith.index_cast %add3A_160 : i32 to index
      %swap3A_162 = arith.constant 0 : index
      %swap3A_163 = vector.load %arg31[%swap3A_161, %swap3A_162] : memref<2080x512xf32, #tpu.memory_space<vmem>>, vector<256x512xf32>
      tpu.vector_store %arg31[%swap3A_161, %swap3A_162], %add3A_158 {strides = array<i32>} : memref<2080x512xf32, #tpu.memory_space<vmem>>, vector<256x512xf32>,
      %dot_general3A = arith.constant dense<0.000000e+00> : vector<256x64xf32>
      %dot_general3A_164 = tpu.matmul %add3A_158, %get3A_18, %dot_general3A {dimension_numbers = #tpu.dot_dimension_numbers<[1], [0], [0], [1], [0, 0, 1, 1], [], []>, precision = #tpu.contract_precision<fp32>, transpose_lhs_hint = false} : vector<256x512xf32>, vector<512x64xf32>, vector<256x64xf32> -> vector<256x64xf32>
      %add3A_165 = arith.constant 32 : i32
      %add3A_166 = arith.addi %mul3A_130, %add3A_165 : i32
      %swap3A_167 = arith.index_cast %add3A_166 : i32 to index
      %swap3A_168 = arith.constant 0 : index
      %swap3A_169 = vector.load %arg32[%swap3A_167, %swap3A_168] : memref<2080x64xf32, #tpu.memory_space<vmem>>, vector<256x64xf32>
      tpu.vector_store %arg32[%swap3A_167, %swap3A_168], %dot_general3A_164 {strides = array<i32>} : memref<2080x64xf32, #tpu.memory_space<vmem>>, vector<256x64xf32>,
      %dot_general3A_170 = arith.constant dense<0.000000e+00> : vector<256x64xf32>
      %dot_general3A_171 = tpu.matmul %add3A_158, %get3A_15, %dot_general3A_170 {dimension_numbers = #tpu.dot_dimension_numbers<[1], [0], [0], [1], [0, 0, 1, 1], [], []>, precision = #tpu.contract_precision<fp32>, transpose_lhs_hint = false} : vector<256x512xf32>, vector<512x64xf32>, vector<256x64xf32> -> vector<256x64xf32>
      %get3A_172 = arith.index_cast %mul3A_130 : i32 to index
      %get3A_173 = arith.constant 0 : index
      %get3A_174 = vector.load %arg32[%get3A_172, %get3A_173] : memref<2080x64xf32, #tpu.memory_space<vmem>>, vector<288x64xf32>
      %get3A_175 = arith.index_cast %mul3A_130 : i32 to index
      %get3A_176 = arith.constant 0 : index
      %get3A_177 = vector.load %arg31[%get3A_175, %get3A_176] : memref<2080x512xf32, #tpu.memory_space<vmem>>, vector<288x512xf32>
      %convert_element_type3A = arith.truncf %dot_general3A_171 : vector<256x64xf32> to vector<256x64xbf16>
      %convert_element_type3A_178 = arith.extf %convert_element_type3A : vector<256x64xbf16> to vector<256x64xf32>
      %sub3A_179 = arith.subf %dot_general3A_171, %convert_element_type3A_178 : vector<256x64xf32>
      %convert_element_type3A_180 = arith.truncf %sub3A_179 : vector<256x64xf32> to vector<256x64xbf16>
      %convert_element_type3A_181 = arith.extf %convert_element_type3A_180 : vector<256x64xbf16> to vector<256x64xf32>
      %sub3A_182 = arith.subf %sub3A_179, %convert_element_type3A_181 : vector<256x64xf32>
      %convert_element_type3A_183 = arith.truncf %sub3A_182 : vector<256x64xf32> to vector<256x64xbf16>
      %convert_element_type3A_184 = arith.truncf %get3A_174 : vector<288x64xf32> to vector<288x64xbf16>
      %convert_element_type3A_185 = arith.extf %convert_element_type3A_184 : vector<288x64xbf16> to vector<288x64xf32>
      %sub3A_186 = arith.subf %get3A_174, %convert_element_type3A_185 : vector<288x64xf32>
      %convert_element_type3A_187 = arith.truncf %sub3A_186 : vector<288x64xf32> to vector<288x64xbf16>
      %convert_element_type3A_188 = arith.extf %convert_element_type3A_187 : vector<288x64xbf16> to vector<288x64xf32>
      %sub3A_189 = arith.subf %sub3A_186, %convert_element_type3A_188 : vector<288x64xf32>
      %convert_element_type3A_190 = arith.truncf %sub3A_189 : vector<288x64xf32> to vector<288x64xbf16>
      %dot_general3A_191 = arith.constant dense<0.000000e+00> : vector<256x288xf32>
      %dot_general3A_192 = tpu.matmul %convert_element_type3A, %convert_element_type3A_184, %dot_general3A_191 {dimension_numbers = #tpu.dot_dimension_numbers<[1], [1], [0], [0], [0, 0, 1, 0], [], []>, transpose_lhs_hint = false} : vector<256x64xbf16>, vector<288x64xbf16>, vector<256x288xf32> -> vector<256x288xf32>
      %dot_general3A_193 = arith.constant dense<0.000000e+00> : vector<256x288xf32>
      %dot_general3A_194 = tpu.matmul %convert_element_type3A, %convert_element_type3A_187, %dot_general3A_193 {dimension_numbers = #tpu.dot_dimension_numbers<[1], [1], [0], [0], [0, 0, 1, 0], [], []>, transpose_lhs_hint = false} : vector<256x64xbf16>, vector<288x64xbf16>, vector<256x288xf32> -> vector<256x288xf32>
      %dot_general3A_195 = arith.constant dense<0.000000e+00> : vector<256x288xf32>
      %dot_general3A_196 = tpu.matmul %convert_element_type3A_180, %convert_element_type3A_184, %dot_general3A_195 {dimension_numbers = #tpu.dot_dimension_numbers<[1], [1], [0], [0], [0, 0, 1, 0], [], []>, transpose_lhs_hint = false} : vector<256x64xbf16>, vector<288x64xbf16>, vector<256x288xf32> -> vector<256x288xf32>
      %add3A_197 = arith.addf %dot_general3A_194, %dot_general3A_196 : vector<256x288xf32>
      %add3A_198 = arith.addf %dot_general3A_192, %add3A_197 : vector<256x288xf32>
      %dot_general3A_199 = arith.constant dense<0.000000e+00> : vector<256x288xf32>
      %dot_general3A_200 = tpu.matmul %convert_element_type3A, %convert_element_type3A_190, %dot_general3A_199 {dimension_numbers = #tpu.dot_dimension_numbers<[1], [1], [0], [0], [0, 0, 1, 0], [], []>, transpose_lhs_hint = false} : vector<256x64xbf16>, vector<288x64xbf16>, vector<256x288xf32> -> vector<256x288xf32>
      %dot_general3A_201 = arith.constant dense<0.000000e+00> : vector<256x288xf32>
      %dot_general3A_202 = tpu.matmul %convert_element_type3A_180, %convert_element_type3A_187, %dot_general3A_201 {dimension_numbers = #tpu.dot_dimension_numbers<[1], [1], [0], [0], [0, 0, 1, 0], [], []>, transpose_lhs_hint = false} : vector<256x64xbf16>, vector<288x64xbf16>, vector<256x288xf32> -> vector<256x288xf32>
      %add3A_203 = arith.addf %dot_general3A_200, %dot_general3A_202 : vector<256x288xf32>
      %dot_general3A_204 = arith.constant dense<0.000000e+00> : vector<256x288xf32>
      %dot_general3A_205 = tpu.matmul %convert_element_type3A_183, %convert_element_type3A_184, %dot_general3A_204 {dimension_numbers = #tpu.dot_dimension_numbers<[1], [1], [0], [0], [0, 0, 1, 0], [], []>, transpose_lhs_hint = false} : vector<256x64xbf16>, vector<288x64xbf16>, vector<256x288xf32> -> vector<256x288xf32>
      %add3A_206 = arith.addf %add3A_203, %dot_general3A_205 : vector<256x288xf32>
      %add3A_207 = arith.addf %add3A_198, %add3A_206 : vector<256x288xf32>
      %mul3A_208 = arith.constant 1.250000e-01 : f32
      %mul3A_209 = vector.broadcast %mul3A_208 : f32 to vector<256x288xf32>
      %mul3A_210 = arith.mulf %add3A_207, %mul3A_209 : vector<256x288xf32>
      %add3A_211 = vector.broadcast %mul3A_130 : i32 to vector<256x288xi32>
      %add3A_212 = arith.addi %iota3A_25, %add3A_211 : vector<256x288xi32>
      %ge3A_213 = arith.constant 32 : i32
      %ge3A_214 = vector.broadcast %ge3A_213 : i32 to vector<256x288xi32>
      %ge3A_215 = arith.cmpi sge, %add3A_212, %ge3A_214 : vector<256x288xi32>
      %and3A_216 = arith.andi %and3A, %ge3A_215 : vector<256x288xi1>
      %jit3A = arith.constant 0.000000e+00 : f32
      %broadcast_in_dim3A_217 = vector.broadcast %jit3A : f32 to vector<256x288xf32>
      %select_n3A = arith.select %and3A_216, %mul3A_210, %broadcast_in_dim3A_217 : vector<256x288xi1>, vector<256x288xf32>
      %abs3A = math.absf %mul3A_210 : vector<256x288xf32>
      %jit3A_218 = arith.constant 0xFF800000 : f32
      %broadcast_in_dim3A_219 = vector.broadcast %jit3A_218 : f32 to vector<256x288xf32>
      %select_n3A_220 = arith.select %and3A_216, %abs3A, %broadcast_in_dim3A_219 : vector<256x288xi1>, vector<256x288xf32>
      %reduce_max3A = arith.constant dense<0xFF800000> : vector<256xf32>
      %reduce_max3A_221 = vector.multi_reduction <maximumf>, %select_n3A_220, %reduce_max3A [1] : vector<256x288xf32> to vector<256xf32>
      %broadcast_in_dim3A_222 = vector.shape_cast %reduce_max3A_221 : vector<256xf32> to vector<256x1xf32>
      %sub3A_223 = vector.broadcast %broadcast_in_dim3A_222 : vector<256x1xf32> to vector<256x288xf32>
      %sub3A_224 = arith.subf %select_n3A_220, %sub3A_223 : vector<256x288xf32>
      %exp3A = math.exp %sub3A_224 : vector<256x288xf32>
      %reduce_sum3A_225 = arith.constant dense<0.000000e+00> : vector<256xf32>
      %reduce_sum3A_226 = vector.multi_reduction <add>, %exp3A, %reduce_sum3A_225 [1] : vector<256x288xf32> to vector<256xf32>
      %broadcast_in_dim3A_227 = vector.shape_cast %reduce_sum3A_226 : vector<256xf32> to vector<256x1xf32>
      %div3A_228 = vector.broadcast %broadcast_in_dim3A_227 : vector<256x1xf32> to vector<256x288xf32>
      %div3A_229 = arith.divf %exp3A, %div3A_228 : vector<256x288xf32>
      %sign3A = tpu.bitcast %select_n3A : vector<256x288xf32> -> vector<256x288xi32>
      %sign3A_230 = arith.constant -2147483648 : i32
      %sign3A_231 = vector.broadcast %sign3A_230 : i32 to vector<256x288xi32>
      %sign3A_232 = arith.andi %sign3A, %sign3A_231 : vector<256x288xi32>
      %sign3A_233 = arith.constant 1065353216 : i32
      %sign3A_234 = vector.broadcast %sign3A_233 : i32 to vector<256x288xi32>
      %sign3A_235 = arith.ori %sign3A_234, %sign3A_232 : vector<256x288xi32>
      %sign3A_236 = tpu.bitcast %sign3A_235 : vector<256x288xi32> -> vector<256x288xf32>
      %sign3A_237 = math.absf %select_n3A : vector<256x288xf32>
      %sign3A_238 = arith.constant 0.000000e+00 : f32
      %sign3A_239 = vector.broadcast %sign3A_238 : f32 to vector<256x288xf32>
      %sign3A_240 = arith.cmpf ogt, %sign3A_237, %sign3A_239 : vector<256x288xf32>
      %sign3A_241 = arith.select %sign3A_240, %sign3A_236, %select_n3A : vector<256x288xi1>, vector<256x288xf32>
      %mul3A_242 = arith.mulf %div3A_229, %sign3A_241 : vector<256x288xf32>
      %dot_general3A_243 = arith.constant dense<0.000000e+00> : vector<256x512xf32>
      %dot_general3A_244 = tpu.matmul %mul3A_242, %get3A_177, %dot_general3A_243 {dimension_numbers = #tpu.dot_dimension_numbers<[1], [0], [0], [1], [0, 0, 1, 1], [], []>, precision = #tpu.contract_precision<fp32>, transpose_lhs_hint = false} : vector<256x288xf32>, vector<288x512xf32>, vector<256x512xf32> -> vector<256x512xf32>
      %add3A_245 = arith.addf %get3A_133, %dot_general3A_244 : vector<256x512xf32>
      %swap3A_246 = arith.index_cast %mul3A_130 : i32 to index
      %swap3A_247 = arith.constant 0 : index
      %swap3A_248 = vector.load %arg30[%swap3A_246, %swap3A_247] : memref<2048x512xf32, #tpu.memory_space<vmem>>, vector<256x512xf32>
      tpu.vector_store %arg30[%swap3A_246, %swap3A_247], %add3A_245 {strides = array<i32>} : memref<2048x512xf32, #tpu.memory_space<vmem>>, vector<256x512xf32>,
    }
    %scan3A_34 = arith.constant 8 : i32
    %get3A_35 = arith.constant 0 : index
    %get3A_36 = arith.constant 0 : index
    %get3A_37 = vector.load %arg5[%get3A_35, %get3A_36] : memref<512x64xf32, #tpu.memory_space<vmem>>, vector<512x64xf32>
    %get3A_38 = arith.constant 0 : index
    %get3A_39 = arith.constant 0 : index
    %get3A_40 = vector.load %arg6[%get3A_38, %get3A_39] : memref<512x64xf32, #tpu.memory_space<vmem>>, vector<512x64xf32>
    %get3A_41 = arith.constant 0 : index
    %get3A_42 = arith.constant 0 : index
    %get3A_43 = vector.load %arg7[%get3A_41, %get3A_42] : memref<1x512xf32, #tpu.memory_space<vmem>>, vector<1x512xf32>
    %get3A_44 = arith.constant 0 : index
    %get3A_45 = arith.constant 0 : index
    %get3A_46 = vector.load %arg8[%get3A_44, %get3A_45] : memref<1x512xf32, #tpu.memory_space<vmem>>, vector<1x512xf32>
    %iota3A_47 = tpu.iota {dimensions = array<i32: 0>} : vector<256x288xi32>
    %iota3A_48 = tpu.iota {dimensions = array<i32: 1>} : vector<256x288xi32>
    %add3A_49 = arith.constant 1 : i32
    %add3A_50 = vector.broadcast %add3A_49 : i32 to vector<256x288xi32>
    %add3A_51 = arith.addi %iota3A_47, %add3A_50 : vector<256x288xi32>
    %ge3A_52 = arith.cmpi sge, %iota3A_48, %add3A_51 : vector<256x288xi32>
    %add3A_53 = arith.constant 32 : i32
    %add3A_54 = vector.broadcast %add3A_53 : i32 to vector<256x288xi32>
    %add3A_55 = arith.addi %iota3A_47, %add3A_54 : vector<256x288xi32>
    %le3A_56 = arith.cmpi sle, %iota3A_48, %add3A_55 : vector<256x288xi32>
    %and3A_57 = arith.andi %ge3A_52, %le3A_56 : vector<256x288xi1>
    %scan3A_58 = arith.constant 0 : i32
    %scan3A_59 = arith.constant 8 : i32
    %scan3A_60 = arith.addi %scan3A_58, %scan3A_59 : i32
    %scan3A_61 = arith.constant 1 : i32
    scf.for %scan3A_129 = %scan3A_58 to %scan3A_60 step %scan3A_61  : i32 {
      %mul3A = arith.constant 256 : i32
      %mul3A_130 = arith.muli %scan3A_129, %mul3A : i32
      %get3A_131 = arith.index_cast %mul3A_130 : i32 to index
      %get3A_132 = arith.constant 0 : index
      %get3A_133 = vector.load %arg30[%get3A_131, %get3A_132] : memref<2048x512xf32, #tpu.memory_space<vmem>>, vector<256x512xf32>
      %reduce_sum3A = arith.constant dense<0.000000e+00> : vector<256xf32>
      %reduce_sum3A_134 = vector.multi_reduction <add>, %get3A_133, %reduce_sum3A [1] : vector<256x512xf32> to vector<256xf32>
      %broadcast_in_dim3A_135 = vector.shape_cast %reduce_sum3A_134 : vector<256xf32> to vector<256x1xf32>
      %div3A = arith.constant 5.120000e+02 : f32
      %div3A_136 = vector.broadcast %div3A : f32 to vector<256x1xf32>
      %div3A_137 = arith.divf %broadcast_in_dim3A_135, %div3A_136 : vector<256x1xf32>
      %sub3A = vector.broadcast %div3A_137 : vector<256x1xf32> to vector<256x512xf32>
      %sub3A_138 = arith.subf %get3A_133, %sub3A : vector<256x512xf32>
      %sub3A_139 = vector.broadcast %div3A_137 : vector<256x1xf32> to vector<256x512xf32>
      %sub3A_140 = arith.subf %get3A_133, %sub3A_139 : vector<256x512xf32>
      %mul3A_141 = arith.mulf %sub3A_138, %sub3A_140 : vector<256x512xf32>
      %reduce_sum3A_142 = arith.constant dense<0.000000e+00> : vector<256xf32>
      %reduce_sum3A_143 = vector.multi_reduction <add>, %mul3A_141, %reduce_sum3A_142 [1] : vector<256x512xf32> to vector<256xf32>
      %broadcast_in_dim3A_144 = vector.shape_cast %reduce_sum3A_143 : vector<256xf32> to vector<256x1xf32>
      %div3A_145 = arith.constant 5.120000e+02 : f32
      %div3A_146 = vector.broadcast %div3A_145 : f32 to vector<256x1xf32>
      %div3A_147 = arith.divf %broadcast_in_dim3A_144, %div3A_146 : vector<256x1xf32>
      %sub3A_148 = vector.broadcast %div3A_137 : vector<256x1xf32> to vector<256x512xf32>
      %sub3A_149 = arith.subf %get3A_133, %sub3A_148 : vector<256x512xf32>
      %add3A_150 = arith.constant 9.99999974E-6 : f32
      %add3A_151 = vector.broadcast %add3A_150 : f32 to vector<256x1xf32>
      %add3A_152 = arith.addf %div3A_147, %add3A_151 : vector<256x1xf32>
      %rsqrt3A = math.rsqrt %add3A_152 : vector<256x1xf32>
      %mul3A_153 = vector.broadcast %rsqrt3A : vector<256x1xf32> to vector<256x512xf32>
      %mul3A_154 = arith.mulf %sub3A_149, %mul3A_153 : vector<256x512xf32>
      %mul3A_155 = vector.broadcast %get3A_43 : vector<1x512xf32> to vector<256x512xf32>
      %mul3A_156 = arith.mulf %mul3A_154, %mul3A_155 : vector<256x512xf32>
      %add3A_157 = vector.broadcast %get3A_46 : vector<1x512xf32> to vector<256x512xf32>
      %add3A_158 = arith.addf %mul3A_156, %add3A_157 : vector<256x512xf32>
      %add3A_159 = arith.constant 32 : i32
      %add3A_160 = arith.addi %mul3A_130, %add3A_159 : i32
      %swap3A_161 = arith.index_cast %add3A_160 : i32 to index
      %swap3A_162 = arith.constant 0 : index
      %swap3A_163 = vector.load %arg31[%swap3A_161, %swap3A_162] : memref<2080x512xf32, #tpu.memory_space<vmem>>, vector<256x512xf32>
      tpu.vector_store %arg31[%swap3A_161, %swap3A_162], %add3A_158 {strides = array<i32>} : memref<2080x512xf32, #tpu.memory_space<vmem>>, vector<256x512xf32>,
      %dot_general3A = arith.constant dense<0.000000e+00> : vector<256x64xf32>
      %dot_general3A_164 = tpu.matmul %add3A_158, %get3A_40, %dot_general3A {dimension_numbers = #tpu.dot_dimension_numbers<[1], [0], [0], [1], [0, 0, 1, 1], [], []>, precision = #tpu.contract_precision<fp32>, transpose_lhs_hint = false} : vector<256x512xf32>, vector<512x64xf32>, vector<256x64xf32> -> vector<256x64xf32>
      %add3A_165 = arith.constant 32 : i32
      %add3A_166 = arith.addi %mul3A_130, %add3A_165 : i32
      %swap3A_167 = arith.index_cast %add3A_166 : i32 to index
      %swap3A_168 = arith.constant 0 : index
      %swap3A_169 = vector.load %arg32[%swap3A_167, %swap3A_168] : memref<2080x64xf32, #tpu.memory_space<vmem>>, vector<256x64xf32>
      tpu.vector_store %arg32[%swap3A_167, %swap3A_168], %dot_general3A_164 {strides = array<i32>} : memref<2080x64xf32, #tpu.memory_space<vmem>>, vector<256x64xf32>,
      %dot_general3A_170 = arith.constant dense<0.000000e+00> : vector<256x64xf32>
      %dot_general3A_171 = tpu.matmul %add3A_158, %get3A_37, %dot_general3A_170 {dimension_numbers = #tpu.dot_dimension_numbers<[1], [0], [0], [1], [0, 0, 1, 1], [], []>, precision = #tpu.contract_precision<fp32>, transpose_lhs_hint = false} : vector<256x512xf32>, vector<512x64xf32>, vector<256x64xf32> -> vector<256x64xf32>
      %get3A_172 = arith.index_cast %mul3A_130 : i32 to index
      %get3A_173 = arith.constant 0 : index
      %get3A_174 = vector.load %arg32[%get3A_172, %get3A_173] : memref<2080x64xf32, #tpu.memory_space<vmem>>, vector<288x64xf32>
      %get3A_175 = arith.index_cast %mul3A_130 : i32 to index
      %get3A_176 = arith.constant 0 : index
      %get3A_177 = vector.load %arg31[%get3A_175, %get3A_176] : memref<2080x512xf32, #tpu.memory_space<vmem>>, vector<288x512xf32>
      %convert_element_type3A = arith.truncf %dot_general3A_171 : vector<256x64xf32> to vector<256x64xbf16>
      %convert_element_type3A_178 = arith.extf %convert_element_type3A : vector<256x64xbf16> to vector<256x64xf32>
      %sub3A_179 = arith.subf %dot_general3A_171, %convert_element_type3A_178 : vector<256x64xf32>
      %convert_element_type3A_180 = arith.truncf %sub3A_179 : vector<256x64xf32> to vector<256x64xbf16>
      %convert_element_type3A_181 = arith.extf %convert_element_type3A_180 : vector<256x64xbf16> to vector<256x64xf32>
      %sub3A_182 = arith.subf %sub3A_179, %convert_element_type3A_181 : vector<256x64xf32>
      %convert_element_type3A_183 = arith.truncf %sub3A_182 : vector<256x64xf32> to vector<256x64xbf16>
      %convert_element_type3A_184 = arith.truncf %get3A_174 : vector<288x64xf32> to vector<288x64xbf16>
      %convert_element_type3A_185 = arith.extf %convert_element_type3A_184 : vector<288x64xbf16> to vector<288x64xf32>
      %sub3A_186 = arith.subf %get3A_174, %convert_element_type3A_185 : vector<288x64xf32>
      %convert_element_type3A_187 = arith.truncf %sub3A_186 : vector<288x64xf32> to vector<288x64xbf16>
      %convert_element_type3A_188 = arith.extf %convert_element_type3A_187 : vector<288x64xbf16> to vector<288x64xf32>
      %sub3A_189 = arith.subf %sub3A_186, %convert_element_type3A_188 : vector<288x64xf32>
      %convert_element_type3A_190 = arith.truncf %sub3A_189 : vector<288x64xf32> to vector<288x64xbf16>
      %dot_general3A_191 = arith.constant dense<0.000000e+00> : vector<256x288xf32>
      %dot_general3A_192 = tpu.matmul %convert_element_type3A, %convert_element_type3A_184, %dot_general3A_191 {dimension_numbers = #tpu.dot_dimension_numbers<[1], [1], [0], [0], [0, 0, 1, 0], [], []>, transpose_lhs_hint = false} : vector<256x64xbf16>, vector<288x64xbf16>, vector<256x288xf32> -> vector<256x288xf32>
      %dot_general3A_193 = arith.constant dense<0.000000e+00> : vector<256x288xf32>
      %dot_general3A_194 = tpu.matmul %convert_element_type3A, %convert_element_type3A_187, %dot_general3A_193 {dimension_numbers = #tpu.dot_dimension_numbers<[1], [1], [0], [0], [0, 0, 1, 0], [], []>, transpose_lhs_hint = false} : vector<256x64xbf16>, vector<288x64xbf16>, vector<256x288xf32> -> vector<256x288xf32>
      %dot_general3A_195 = arith.constant dense<0.000000e+00> : vector<256x288xf32>
      %dot_general3A_196 = tpu.matmul %convert_element_type3A_180, %convert_element_type3A_184, %dot_general3A_195 {dimension_numbers = #tpu.dot_dimension_numbers<[1], [1], [0], [0], [0, 0, 1, 0], [], []>, transpose_lhs_hint = false} : vector<256x64xbf16>, vector<288x64xbf16>, vector<256x288xf32> -> vector<256x288xf32>
      %add3A_197 = arith.addf %dot_general3A_194, %dot_general3A_196 : vector<256x288xf32>
      %add3A_198 = arith.addf %dot_general3A_192, %add3A_197 : vector<256x288xf32>
      %dot_general3A_199 = arith.constant dense<0.000000e+00> : vector<256x288xf32>
      %dot_general3A_200 = tpu.matmul %convert_element_type3A, %convert_element_type3A_190, %dot_general3A_199 {dimension_numbers = #tpu.dot_dimension_numbers<[1], [1], [0], [0], [0, 0, 1, 0], [], []>, transpose_lhs_hint = false} : vector<256x64xbf16>, vector<288x64xbf16>, vector<256x288xf32> -> vector<256x288xf32>
      %dot_general3A_201 = arith.constant dense<0.000000e+00> : vector<256x288xf32>
      %dot_general3A_202 = tpu.matmul %convert_element_type3A_180, %convert_element_type3A_187, %dot_general3A_201 {dimension_numbers = #tpu.dot_dimension_numbers<[1], [1], [0], [0], [0, 0, 1, 0], [], []>, transpose_lhs_hint = false} : vector<256x64xbf16>, vector<288x64xbf16>, vector<256x288xf32> -> vector<256x288xf32>
      %add3A_203 = arith.addf %dot_general3A_200, %dot_general3A_202 : vector<256x288xf32>
      %dot_general3A_204 = arith.constant dense<0.000000e+00> : vector<256x288xf32>
      %dot_general3A_205 = tpu.matmul %convert_element_type3A_183, %convert_element_type3A_184, %dot_general3A_204 {dimension_numbers = #tpu.dot_dimension_numbers<[1], [1], [0], [0], [0, 0, 1, 0], [], []>, transpose_lhs_hint = false} : vector<256x64xbf16>, vector<288x64xbf16>, vector<256x288xf32> -> vector<256x288xf32>
      %add3A_206 = arith.addf %add3A_203, %dot_general3A_205 : vector<256x288xf32>
      %add3A_207 = arith.addf %add3A_198, %add3A_206 : vector<256x288xf32>
      %mul3A_208 = arith.constant 1.250000e-01 : f32
      %mul3A_209 = vector.broadcast %mul3A_208 : f32 to vector<256x288xf32>
      %mul3A_210 = arith.mulf %add3A_207, %mul3A_209 : vector<256x288xf32>
      %add3A_211 = vector.broadcast %mul3A_130 : i32 to vector<256x288xi32>
      %add3A_212 = arith.addi %iota3A_48, %add3A_211 : vector<256x288xi32>
      %ge3A_213 = arith.constant 32 : i32
      %ge3A_214 = vector.broadcast %ge3A_213 : i32 to vector<256x288xi32>
      %ge3A_215 = arith.cmpi sge, %add3A_212, %ge3A_214 : vector<256x288xi32>
      %and3A_216 = arith.andi %and3A_57, %ge3A_215 : vector<256x288xi1>
      %jit3A = arith.constant 0.000000e+00 : f32
      %broadcast_in_dim3A_217 = vector.broadcast %jit3A : f32 to vector<256x288xf32>
      %select_n3A = arith.select %and3A_216, %mul3A_210, %broadcast_in_dim3A_217 : vector<256x288xi1>, vector<256x288xf32>
      %abs3A = math.absf %mul3A_210 : vector<256x288xf32>
      %jit3A_218 = arith.constant 0xFF800000 : f32
      %broadcast_in_dim3A_219 = vector.broadcast %jit3A_218 : f32 to vector<256x288xf32>
      %select_n3A_220 = arith.select %and3A_216, %abs3A, %broadcast_in_dim3A_219 : vector<256x288xi1>, vector<256x288xf32>
      %reduce_max3A = arith.constant dense<0xFF800000> : vector<256xf32>
      %reduce_max3A_221 = vector.multi_reduction <maximumf>, %select_n3A_220, %reduce_max3A [1] : vector<256x288xf32> to vector<256xf32>
      %broadcast_in_dim3A_222 = vector.shape_cast %reduce_max3A_221 : vector<256xf32> to vector<256x1xf32>
      %sub3A_223 = vector.broadcast %broadcast_in_dim3A_222 : vector<256x1xf32> to vector<256x288xf32>
      %sub3A_224 = arith.subf %select_n3A_220, %sub3A_223 : vector<256x288xf32>
      %exp3A = math.exp %sub3A_224 : vector<256x288xf32>
      %reduce_sum3A_225 = arith.constant dense<0.000000e+00> : vector<256xf32>
      %reduce_sum3A_226 = vector.multi_reduction <add>, %exp3A, %reduce_sum3A_225 [1] : vector<256x288xf32> to vector<256xf32>
      %broadcast_in_dim3A_227 = vector.shape_cast %reduce_sum3A_226 : vector<256xf32> to vector<256x1xf32>
      %div3A_228 = vector.broadcast %broadcast_in_dim3A_227 : vector<256x1xf32> to vector<256x288xf32>
      %div3A_229 = arith.divf %exp3A, %div3A_228 : vector<256x288xf32>
      %sign3A = tpu.bitcast %select_n3A : vector<256x288xf32> -> vector<256x288xi32>
      %sign3A_230 = arith.constant -2147483648 : i32
      %sign3A_231 = vector.broadcast %sign3A_230 : i32 to vector<256x288xi32>
      %sign3A_232 = arith.andi %sign3A, %sign3A_231 : vector<256x288xi32>
      %sign3A_233 = arith.constant 1065353216 : i32
      %sign3A_234 = vector.broadcast %sign3A_233 : i32 to vector<256x288xi32>
      %sign3A_235 = arith.ori %sign3A_234, %sign3A_232 : vector<256x288xi32>
      %sign3A_236 = tpu.bitcast %sign3A_235 : vector<256x288xi32> -> vector<256x288xf32>
      %sign3A_237 = math.absf %select_n3A : vector<256x288xf32>
      %sign3A_238 = arith.constant 0.000000e+00 : f32
      %sign3A_239 = vector.broadcast %sign3A_238 : f32 to vector<256x288xf32>
      %sign3A_240 = arith.cmpf ogt, %sign3A_237, %sign3A_239 : vector<256x288xf32>
      %sign3A_241 = arith.select %sign3A_240, %sign3A_236, %select_n3A : vector<256x288xi1>, vector<256x288xf32>
      %mul3A_242 = arith.mulf %div3A_229, %sign3A_241 : vector<256x288xf32>
      %dot_general3A_243 = arith.constant dense<0.000000e+00> : vector<256x512xf32>
      %dot_general3A_244 = tpu.matmul %mul3A_242, %get3A_177, %dot_general3A_243 {dimension_numbers = #tpu.dot_dimension_numbers<[1], [0], [0], [1], [0, 0, 1, 1], [], []>, precision = #tpu.contract_precision<fp32>, transpose_lhs_hint = false} : vector<256x288xf32>, vector<288x512xf32>, vector<256x512xf32> -> vector<256x512xf32>
      %add3A_245 = arith.addf %get3A_133, %dot_general3A_244 : vector<256x512xf32>
      %swap3A_246 = arith.index_cast %mul3A_130 : i32 to index
      %swap3A_247 = arith.constant 0 : index
      %swap3A_248 = vector.load %arg30[%swap3A_246, %swap3A_247] : memref<2048x512xf32, #tpu.memory_space<vmem>>, vector<256x512xf32>
      tpu.vector_store %arg30[%swap3A_246, %swap3A_247], %add3A_245 {strides = array<i32>} : memref<2048x512xf32, #tpu.memory_space<vmem>>, vector<256x512xf32>,
    }
    %scan3A_62 = arith.constant 8 : i32
    %scan3A_63 = arith.constant 0 : i32
    %scan3A_64 = arith.constant 8 : i32
    %scan3A_65 = arith.addi %scan3A_63, %scan3A_64 : i32
    %scan3A_66 = arith.constant 1 : i32
    scf.for %scan3A_129 = %scan3A_63 to %scan3A_65 step %scan3A_66  : i32 {
      %mul3A = arith.constant 256 : i32
      %mul3A_130 = arith.muli %scan3A_129, %mul3A : i32
      %get3A_131 = arith.index_cast %mul3A_130 : i32 to index
      %get3A_132 = arith.constant 0 : index
      %get3A_133 = vector.load %arg30[%get3A_131, %get3A_132] : memref<2048x512xf32, #tpu.memory_space<vmem>>, vector<256x512xf32>
      %get3A_134 = arith.constant 0 : index
      %get3A_135 = arith.constant 0 : index
      %get3A_136 = vector.load %arg9[%get3A_134, %get3A_135] : memref<512x512xf32, #tpu.memory_space<vmem>>, vector<512x512xf32>
      %dot_general3A = arith.constant dense<0.000000e+00> : vector<256x512xf32>
      %dot_general3A_137 = tpu.matmul %get3A_133, %get3A_136, %dot_general3A {dimension_numbers = #tpu.dot_dimension_numbers<[1], [0], [0], [1], [0, 0, 1, 1], [], []>, precision = #tpu.contract_precision<fp32>, transpose_lhs_hint = false} : vector<256x512xf32>, vector<512x512xf32>, vector<256x512xf32> -> vector<256x512xf32>
      %convert_element_type3A = arith.truncf %dot_general3A_137 : vector<256x512xf32> to vector<256x512xbf16>
      %convert_element_type3A_138 = arith.extf %convert_element_type3A : vector<256x512xbf16> to vector<256x512xf32>
      %get3A_139 = arith.constant 0 : index
      %get3A_140 = arith.constant 0 : index
      %get3A_141 = vector.load %arg10[%get3A_139, %get3A_140] : memref<256x512xf32, #tpu.memory_space<vmem>>, vector<256x512xf32>
      %get3A_142 = arith.constant 0 : index
      %get3A_143 = arith.constant 0 : index
      %get3A_144 = vector.load %arg11[%get3A_142, %get3A_143] : memref<256x512xf32, #tpu.memory_space<vmem>>, vector<256x512xf32>
      %convert_element_type3A_145 = arith.truncf %convert_element_type3A_138 : vector<256x512xf32> to vector<256x512xbf16>
      %convert_element_type3A_146 = arith.extf %convert_element_type3A_145 : vector<256x512xbf16> to vector<256x512xf32>
      %sub3A = arith.subf %convert_element_type3A_138, %convert_element_type3A_146 : vector<256x512xf32>
      %convert_element_type3A_147 = arith.truncf %sub3A : vector<256x512xf32> to vector<256x512xbf16>
      %convert_element_type3A_148 = arith.extf %convert_element_type3A_147 : vector<256x512xbf16> to vector<256x512xf32>
      %sub3A_149 = arith.subf %sub3A, %convert_element_type3A_148 : vector<256x512xf32>
      %convert_element_type3A_150 = arith.truncf %sub3A_149 : vector<256x512xf32> to vector<256x512xbf16>
      %convert_element_type3A_151 = arith.truncf %get3A_141 : vector<256x512xf32> to vector<256x512xbf16>
      %convert_element_type3A_152 = arith.extf %convert_element_type3A_151 : vector<256x512xbf16> to vector<256x512xf32>
      %sub3A_153 = arith.subf %get3A_141, %convert_element_type3A_152 : vector<256x512xf32>
      %convert_element_type3A_154 = arith.truncf %sub3A_153 : vector<256x512xf32> to vector<256x512xbf16>
      %convert_element_type3A_155 = arith.extf %convert_element_type3A_154 : vector<256x512xbf16> to vector<256x512xf32>
      %sub3A_156 = arith.subf %sub3A_153, %convert_element_type3A_155 : vector<256x512xf32>
      %convert_element_type3A_157 = arith.truncf %sub3A_156 : vector<256x512xf32> to vector<256x512xbf16>
      %dot_general3A_158 = arith.constant dense<0.000000e+00> : vector<256x256xf32>
      %dot_general3A_159 = tpu.matmul %convert_element_type3A_145, %convert_element_type3A_151, %dot_general3A_158 {dimension_numbers = #tpu.dot_dimension_numbers<[1], [1], [0], [0], [0, 0, 1, 0], [], []>, transpose_lhs_hint = false} : vector<256x512xbf16>, vector<256x512xbf16>, vector<256x256xf32> -> vector<256x256xf32>
      %dot_general3A_160 = arith.constant dense<0.000000e+00> : vector<256x256xf32>
      %dot_general3A_161 = tpu.matmul %convert_element_type3A_145, %convert_element_type3A_154, %dot_general3A_160 {dimension_numbers = #tpu.dot_dimension_numbers<[1], [1], [0], [0], [0, 0, 1, 0], [], []>, transpose_lhs_hint = false} : vector<256x512xbf16>, vector<256x512xbf16>, vector<256x256xf32> -> vector<256x256xf32>
      %dot_general3A_162 = arith.constant dense<0.000000e+00> : vector<256x256xf32>
      %dot_general3A_163 = tpu.matmul %convert_element_type3A_147, %convert_element_type3A_151, %dot_general3A_162 {dimension_numbers = #tpu.dot_dimension_numbers<[1], [1], [0], [0], [0, 0, 1, 0], [], []>, transpose_lhs_hint = false} : vector<256x512xbf16>, vector<256x512xbf16>, vector<256x256xf32> -> vector<256x256xf32>
      %add3A_164 = arith.addf %dot_general3A_161, %dot_general3A_163 : vector<256x256xf32>
      %add3A_165 = arith.addf %dot_general3A_159, %add3A_164 : vector<256x256xf32>
      %dot_general3A_166 = arith.constant dense<0.000000e+00> : vector<256x256xf32>
      %dot_general3A_167 = tpu.matmul %convert_element_type3A_145, %convert_element_type3A_157, %dot_general3A_166 {dimension_numbers = #tpu.dot_dimension_numbers<[1], [1], [0], [0], [0, 0, 1, 0], [], []>, transpose_lhs_hint = false} : vector<256x512xbf16>, vector<256x512xbf16>, vector<256x256xf32> -> vector<256x256xf32>
      %dot_general3A_168 = arith.constant dense<0.000000e+00> : vector<256x256xf32>
      %dot_general3A_169 = tpu.matmul %convert_element_type3A_147, %convert_element_type3A_154, %dot_general3A_168 {dimension_numbers = #tpu.dot_dimension_numbers<[1], [1], [0], [0], [0, 0, 1, 0], [], []>, transpose_lhs_hint = false} : vector<256x512xbf16>, vector<256x512xbf16>, vector<256x256xf32> -> vector<256x256xf32>
      %add3A_170 = arith.addf %dot_general3A_167, %dot_general3A_169 : vector<256x256xf32>
      %dot_general3A_171 = arith.constant dense<0.000000e+00> : vector<256x256xf32>
      %dot_general3A_172 = tpu.matmul %convert_element_type3A_150, %convert_element_type3A_151, %dot_general3A_171 {dimension_numbers = #tpu.dot_dimension_numbers<[1], [1], [0], [0], [0, 0, 1, 0], [], []>, transpose_lhs_hint = false} : vector<256x512xbf16>, vector<256x512xbf16>, vector<256x256xf32> -> vector<256x256xf32>
      %add3A_173 = arith.addf %add3A_170, %dot_general3A_172 : vector<256x256xf32>
      %add3A_174 = arith.addf %add3A_165, %add3A_173 : vector<256x256xf32>
      %div3A = arith.constant 22.6274166 : f32
      %div3A_175 = vector.broadcast %div3A : f32 to vector<256x256xf32>
      %div3A_176 = arith.divf %add3A_174, %div3A_175 : vector<256x256xf32>
      %iota3A_177 = tpu.iota {dimensions = array<i32: 1>} : vector<256x256xi32>
      %broadcast_in_dim3A_178 = arith.constant 0.000000e+00 : f32
      %broadcast_in_dim3A_179 = vector.broadcast %broadcast_in_dim3A_178 : f32 to vector<256x256xf32>
      %scan3A_180 = arith.constant 0 : i32
      %scan3A_181 = arith.constant 16 : i32
      %scan3A_182 = arith.addi %scan3A_180, %scan3A_181 : i32
      %scan3A_183 = arith.constant 1 : i32
      %scan3A_184:2 = scf.for %scan3A_364 = %scan3A_180 to %scan3A_182 step %scan3A_183 iter_args(%scan3A_365 = %div3A_176, %scan3A_366 = %broadcast_in_dim3A_179) -> (vector<256x256xf32>, vector<256x256xf32>)  : i32 {
        %reduce_max3A_367 = arith.constant dense<0xFF800000> : vector<256xf32>
        %reduce_max3A_368 = vector.multi_reduction <maximumf>, %scan3A_365, %reduce_max3A_367 [1] : vector<256x256xf32> to vector<256xf32>
        %broadcast_in_dim3A_369 = vector.shape_cast %reduce_max3A_368 : vector<256xf32> to vector<256x1xf32>
        %ge3A_370 = vector.broadcast %broadcast_in_dim3A_369 : vector<256x1xf32> to vector<256x256xf32>
        %ge3A_371 = arith.cmpf oge, %scan3A_365, %ge3A_370 : vector<256x256xf32>
        %jit3A_372 = arith.constant 256 : i32
        %broadcast_in_dim3A_373 = vector.broadcast %jit3A_372 : i32 to vector<256x256xi32>
        %select_n3A_374 = arith.select %ge3A_371, %iota3A_177, %broadcast_in_dim3A_373 : vector<256x256xi1>, vector<256x256xi32>
        %reduce_min3A = arith.constant dense<2147483647> : vector<256xi32>
        %reduce_min3A_375 = vector.multi_reduction <minsi>, %select_n3A_374, %reduce_min3A [1] : vector<256x256xi32> to vector<256xi32>
        %broadcast_in_dim3A_376 = vector.shape_cast %reduce_min3A_375 : vector<256xi32> to vector<256x1xi32>
        %eq3A = vector.broadcast %broadcast_in_dim3A_376 : vector<256x1xi32> to vector<256x256xi32>
        %eq3A_377 = arith.cmpi eq, %iota3A_177, %eq3A : vector<256x256xi32>
        %jit3A_378 = arith.constant 0xFF800000 : f32
        %broadcast_in_dim3A_379 = vector.broadcast %jit3A_378 : f32 to vector<256x256xf32>
        %select_n3A_380 = arith.select %eq3A_377, %broadcast_in_dim3A_379, %scan3A_365 : vector<256x256xi1>, vector<256x256xf32>
        %jit3A_381 = arith.constant 1.000000e+00 : f32
        %broadcast_in_dim3A_382 = vector.broadcast %jit3A_381 : f32 to vector<256x256xf32>
        %select_n3A_383 = arith.select %eq3A_377, %broadcast_in_dim3A_382, %scan3A_366 : vector<256x256xi1>, vector<256x256xf32>
        scf.yield %select_n3A_380, %select_n3A_383 : vector<256x256xf32>, vector<256x256xf32>
      }
      %gt3A = arith.constant 5.000000e-01 : f32
      %gt3A_185 = vector.broadcast %gt3A : f32 to vector<256x256xf32>
      %gt3A_186 = arith.cmpf ogt, %scan3A_184#1, %gt3A_185 : vector<256x256xf32>
      %jit3A = arith.constant 0xFF800000 : f32
      %broadcast_in_dim3A_187 = vector.broadcast %jit3A : f32 to vector<256x256xf32>
      %select_n3A = arith.select %gt3A_186, %div3A_176, %broadcast_in_dim3A_187 : vector<256x256xi1>, vector<256x256xf32>
      %reduce_max3A = arith.constant dense<0xFF800000> : vector<256xf32>
      %reduce_max3A_188 = vector.multi_reduction <maximumf>, %select_n3A, %reduce_max3A [1] : vector<256x256xf32> to vector<256xf32>
      %broadcast_in_dim3A_189 = vector.shape_cast %reduce_max3A_188 : vector<256xf32> to vector<256x1xf32>
      %sub3A_190 = vector.broadcast %broadcast_in_dim3A_189 : vector<256x1xf32> to vector<256x256xf32>
      %sub3A_191 = arith.subf %select_n3A, %sub3A_190 : vector<256x256xf32>
      %exp3A = math.exp %sub3A_191 : vector<256x256xf32>
      %reduce_sum3A = arith.constant dense<0.000000e+00> : vector<256xf32>
      %reduce_sum3A_192 = vector.multi_reduction <add>, %exp3A, %reduce_sum3A [1] : vector<256x256xf32> to vector<256xf32>
      %broadcast_in_dim3A_193 = vector.shape_cast %reduce_sum3A_192 : vector<256xf32> to vector<256x1xf32>
      %div3A_194 = vector.broadcast %broadcast_in_dim3A_193 : vector<256x1xf32> to vector<256x256xf32>
      %div3A_195 = arith.divf %exp3A, %div3A_194 : vector<256x256xf32>
      %dot_general3A_196 = arith.constant dense<0.000000e+00> : vector<256x512xf32>
      %dot_general3A_197 = tpu.matmul %div3A_195, %get3A_144, %dot_general3A_196 {dimension_numbers = #tpu.dot_dimension_numbers<[1], [0], [0], [1], [0, 0, 1, 1], [], []>, precision = #tpu.contract_precision<fp32>, transpose_lhs_hint = false} : vector<256x256xf32>, vector<256x512xf32>, vector<256x512xf32> -> vector<256x512xf32>
      %get3A_198 = arith.constant 0 : index
      %get3A_199 = arith.constant 0 : index
      %get3A_200 = vector.load %arg12[%get3A_198, %get3A_199] : memref<64x512xf32, #tpu.memory_space<vmem>>, vector<64x512xf32>
      %get3A_201 = arith.constant 0 : index
      %get3A_202 = arith.constant 0 : index
      %get3A_203 = vector.load %arg13[%get3A_201, %get3A_202] : memref<64x512xf32, #tpu.memory_space<vmem>>, vector<64x512xf32>
      %convert_element_type3A_204 = arith.truncf %convert_element_type3A_138 : vector<256x512xf32> to vector<256x512xbf16>
      %convert_element_type3A_205 = arith.extf %convert_element_type3A_204 : vector<256x512xbf16> to vector<256x512xf32>
      %sub3A_206 = arith.subf %convert_element_type3A_138, %convert_element_type3A_205 : vector<256x512xf32>
      %convert_element_type3A_207 = arith.truncf %sub3A_206 : vector<256x512xf32> to vector<256x512xbf16>
      %convert_element_type3A_208 = arith.extf %convert_element_type3A_207 : vector<256x512xbf16> to vector<256x512xf32>
      %sub3A_209 = arith.subf %sub3A_206, %convert_element_type3A_208 : vector<256x512xf32>
      %convert_element_type3A_210 = arith.truncf %sub3A_209 : vector<256x512xf32> to vector<256x512xbf16>
      %convert_element_type3A_211 = arith.truncf %get3A_200 : vector<64x512xf32> to vector<64x512xbf16>
      %convert_element_type3A_212 = arith.extf %convert_element_type3A_211 : vector<64x512xbf16> to vector<64x512xf32>
      %sub3A_213 = arith.subf %get3A_200, %convert_element_type3A_212 : vector<64x512xf32>
      %convert_element_type3A_214 = arith.truncf %sub3A_213 : vector<64x512xf32> to vector<64x512xbf16>
      %convert_element_type3A_215 = arith.extf %convert_element_type3A_214 : vector<64x512xbf16> to vector<64x512xf32>
      %sub3A_216 = arith.subf %sub3A_213, %convert_element_type3A_215 : vector<64x512xf32>
      %convert_element_type3A_217 = arith.truncf %sub3A_216 : vector<64x512xf32> to vector<64x512xbf16>
      %dot_general3A_218 = arith.constant dense<0.000000e+00> : vector<256x64xf32>
      %dot_general3A_219 = tpu.matmul %convert_element_type3A_204, %convert_element_type3A_211, %dot_general3A_218 {dimension_numbers = #tpu.dot_dimension_numbers<[1], [1], [0], [0], [0, 0, 1, 0], [], []>, transpose_lhs_hint = false} : vector<256x512xbf16>, vector<64x512xbf16>, vector<256x64xf32> -> vector<256x64xf32>
      %dot_general3A_220 = arith.constant dense<0.000000e+00> : vector<256x64xf32>
      %dot_general3A_221 = tpu.matmul %convert_element_type3A_204, %convert_element_type3A_214, %dot_general3A_220 {dimension_numbers = #tpu.dot_dimension_numbers<[1], [1], [0], [0], [0, 0, 1, 0], [], []>, transpose_lhs_hint = false} : vector<256x512xbf16>, vector<64x512xbf16>, vector<256x64xf32> -> vector<256x64xf32>
      %dot_general3A_222 = arith.constant dense<0.000000e+00> : vector<256x64xf32>
      %dot_general3A_223 = tpu.matmul %convert_element_type3A_207, %convert_element_type3A_211, %dot_general3A_222 {dimension_numbers = #tpu.dot_dimension_numbers<[1], [1], [0], [0], [0, 0, 1, 0], [], []>, transpose_lhs_hint = false} : vector<256x512xbf16>, vector<64x512xbf16>, vector<256x64xf32> -> vector<256x64xf32>
      %add3A_224 = arith.addf %dot_general3A_221, %dot_general3A_223 : vector<256x64xf32>
      %add3A_225 = arith.addf %dot_general3A_219, %add3A_224 : vector<256x64xf32>
      %dot_general3A_226 = arith.constant dense<0.000000e+00> : vector<256x64xf32>
      %dot_general3A_227 = tpu.matmul %convert_element_type3A_204, %convert_element_type3A_217, %dot_general3A_226 {dimension_numbers = #tpu.dot_dimension_numbers<[1], [1], [0], [0], [0, 0, 1, 0], [], []>, transpose_lhs_hint = false} : vector<256x512xbf16>, vector<64x512xbf16>, vector<256x64xf32> -> vector<256x64xf32>
      %dot_general3A_228 = arith.constant dense<0.000000e+00> : vector<256x64xf32>
      %dot_general3A_229 = tpu.matmul %convert_element_type3A_207, %convert_element_type3A_214, %dot_general3A_228 {dimension_numbers = #tpu.dot_dimension_numbers<[1], [1], [0], [0], [0, 0, 1, 0], [], []>, transpose_lhs_hint = false} : vector<256x512xbf16>, vector<64x512xbf16>, vector<256x64xf32> -> vector<256x64xf32>
      %add3A_230 = arith.addf %dot_general3A_227, %dot_general3A_229 : vector<256x64xf32>
      %dot_general3A_231 = arith.constant dense<0.000000e+00> : vector<256x64xf32>
      %dot_general3A_232 = tpu.matmul %convert_element_type3A_210, %convert_element_type3A_211, %dot_general3A_231 {dimension_numbers = #tpu.dot_dimension_numbers<[1], [1], [0], [0], [0, 0, 1, 0], [], []>, transpose_lhs_hint = false} : vector<256x512xbf16>, vector<64x512xbf16>, vector<256x64xf32> -> vector<256x64xf32>
      %add3A_233 = arith.addf %add3A_230, %dot_general3A_232 : vector<256x64xf32>
      %add3A_234 = arith.addf %add3A_225, %add3A_233 : vector<256x64xf32>
      %div3A_235 = arith.constant 22.6274166 : f32
      %div3A_236 = vector.broadcast %div3A_235 : f32 to vector<256x64xf32>
      %div3A_237 = arith.divf %add3A_234, %div3A_236 : vector<256x64xf32>
      %iota3A_238 = tpu.iota {dimensions = array<i32: 1>} : vector<256x64xi32>
      %broadcast_in_dim3A_239 = arith.constant 0.000000e+00 : f32
      %broadcast_in_dim3A_240 = vector.broadcast %broadcast_in_dim3A_239 : f32 to vector<256x64xf32>
      %scan3A_241 = arith.constant 0 : i32
      %scan3A_242 = arith.constant 16 : i32
      %scan3A_243 = arith.addi %scan3A_241, %scan3A_242 : i32
      %scan3A_244 = arith.constant 1 : i32
      %scan3A_245:2 = scf.for %scan3A_364 = %scan3A_241 to %scan3A_243 step %scan3A_244 iter_args(%scan3A_365 = %div3A_237, %scan3A_366 = %broadcast_in_dim3A_240) -> (vector<256x64xf32>, vector<256x64xf32>)  : i32 {
        %reduce_max3A_367 = arith.constant dense<0xFF800000> : vector<256xf32>
        %reduce_max3A_368 = vector.multi_reduction <maximumf>, %scan3A_365, %reduce_max3A_367 [1] : vector<256x64xf32> to vector<256xf32>
        %broadcast_in_dim3A_369 = vector.shape_cast %reduce_max3A_368 : vector<256xf32> to vector<256x1xf32>
        %ge3A_370 = vector.broadcast %broadcast_in_dim3A_369 : vector<256x1xf32> to vector<256x64xf32>
        %ge3A_371 = arith.cmpf oge, %scan3A_365, %ge3A_370 : vector<256x64xf32>
        %jit3A_372 = arith.constant 64 : i32
        %broadcast_in_dim3A_373 = vector.broadcast %jit3A_372 : i32 to vector<256x64xi32>
        %select_n3A_374 = arith.select %ge3A_371, %iota3A_238, %broadcast_in_dim3A_373 : vector<256x64xi1>, vector<256x64xi32>
        %reduce_min3A = arith.constant dense<2147483647> : vector<256xi32>
        %reduce_min3A_375 = vector.multi_reduction <minsi>, %select_n3A_374, %reduce_min3A [1] : vector<256x64xi32> to vector<256xi32>
        %broadcast_in_dim3A_376 = vector.shape_cast %reduce_min3A_375 : vector<256xi32> to vector<256x1xi32>
        %eq3A = vector.broadcast %broadcast_in_dim3A_376 : vector<256x1xi32> to vector<256x64xi32>
        %eq3A_377 = arith.cmpi eq, %iota3A_238, %eq3A : vector<256x64xi32>
        %jit3A_378 = arith.constant 0xFF800000 : f32
        %broadcast_in_dim3A_379 = vector.broadcast %jit3A_378 : f32 to vector<256x64xf32>
        %select_n3A_380 = arith.select %eq3A_377, %broadcast_in_dim3A_379, %scan3A_365 : vector<256x64xi1>, vector<256x64xf32>
        %jit3A_381 = arith.constant 1.000000e+00 : f32
        %broadcast_in_dim3A_382 = vector.broadcast %jit3A_381 : f32 to vector<256x64xf32>
        %select_n3A_383 = arith.select %eq3A_377, %broadcast_in_dim3A_382, %scan3A_366 : vector<256x64xi1>, vector<256x64xf32>
        scf.yield %select_n3A_380, %select_n3A_383 : vector<256x64xf32>, vector<256x64xf32>
      }
      %gt3A_246 = arith.constant 5.000000e-01 : f32
      %gt3A_247 = vector.broadcast %gt3A_246 : f32 to vector<256x64xf32>
      %gt3A_248 = arith.cmpf ogt, %scan3A_245#1, %gt3A_247 : vector<256x64xf32>
      %jit3A_249 = arith.constant 0xFF800000 : f32
      %broadcast_in_dim3A_250 = vector.broadcast %jit3A_249 : f32 to vector<256x64xf32>
      %select_n3A_251 = arith.select %gt3A_248, %div3A_237, %broadcast_in_dim3A_250 : vector<256x64xi1>, vector<256x64xf32>
      %reduce_max3A_252 = arith.constant dense<0xFF800000> : vector<256xf32>
      %reduce_max3A_253 = vector.multi_reduction <maximumf>, %select_n3A_251, %reduce_max3A_252 [1] : vector<256x64xf32> to vector<256xf32>
      %broadcast_in_dim3A_254 = vector.shape_cast %reduce_max3A_253 : vector<256xf32> to vector<256x1xf32>
      %sub3A_255 = vector.broadcast %broadcast_in_dim3A_254 : vector<256x1xf32> to vector<256x64xf32>
      %sub3A_256 = arith.subf %select_n3A_251, %sub3A_255 : vector<256x64xf32>
      %exp3A_257 = math.exp %sub3A_256 : vector<256x64xf32>
      %reduce_sum3A_258 = arith.constant dense<0.000000e+00> : vector<256xf32>
      %reduce_sum3A_259 = vector.multi_reduction <add>, %exp3A_257, %reduce_sum3A_258 [1] : vector<256x64xf32> to vector<256xf32>
      %broadcast_in_dim3A_260 = vector.shape_cast %reduce_sum3A_259 : vector<256xf32> to vector<256x1xf32>
      %div3A_261 = vector.broadcast %broadcast_in_dim3A_260 : vector<256x1xf32> to vector<256x64xf32>
      %div3A_262 = arith.divf %exp3A_257, %div3A_261 : vector<256x64xf32>
      %dot_general3A_263 = arith.constant dense<0.000000e+00> : vector<256x512xf32>
      %dot_general3A_264 = tpu.matmul %div3A_262, %get3A_203, %dot_general3A_263 {dimension_numbers = #tpu.dot_dimension_numbers<[1], [0], [0], [1], [0, 0, 1, 1], [], []>, precision = #tpu.contract_precision<fp32>, transpose_lhs_hint = false} : vector<256x64xf32>, vector<64x512xf32>, vector<256x512xf32> -> vector<256x512xf32>
      %add3A_265 = arith.addf %dot_general3A_197, %dot_general3A_264 : vector<256x512xf32>
      %get3A_266 = arith.constant 0 : index
      %get3A_267 = arith.constant 0 : index
      %get3A_268 = vector.load %arg14[%get3A_266, %get3A_267] : memref<16x512xf32, #tpu.memory_space<vmem>>, vector<16x512xf32>
      %get3A_269 = arith.constant 0 : index
      %get3A_270 = arith.constant 0 : index
      %get3A_271 = vector.load %arg15[%get3A_269, %get3A_270] : memref<16x512xf32, #tpu.memory_space<vmem>>, vector<16x512xf32>
      %convert_element_type3A_272 = arith.truncf %convert_element_type3A_138 : vector<256x512xf32> to vector<256x512xbf16>
      %convert_element_type3A_273 = arith.extf %convert_element_type3A_272 : vector<256x512xbf16> to vector<256x512xf32>
      %sub3A_274 = arith.subf %convert_element_type3A_138, %convert_element_type3A_273 : vector<256x512xf32>
      %convert_element_type3A_275 = arith.truncf %sub3A_274 : vector<256x512xf32> to vector<256x512xbf16>
      %convert_element_type3A_276 = arith.extf %convert_element_type3A_275 : vector<256x512xbf16> to vector<256x512xf32>
      %sub3A_277 = arith.subf %sub3A_274, %convert_element_type3A_276 : vector<256x512xf32>
      %convert_element_type3A_278 = arith.truncf %sub3A_277 : vector<256x512xf32> to vector<256x512xbf16>
      %convert_element_type3A_279 = arith.truncf %get3A_268 : vector<16x512xf32> to vector<16x512xbf16>
      %convert_element_type3A_280 = arith.extf %convert_element_type3A_279 : vector<16x512xbf16> to vector<16x512xf32>
      %sub3A_281 = arith.subf %get3A_268, %convert_element_type3A_280 : vector<16x512xf32>
      %convert_element_type3A_282 = arith.truncf %sub3A_281 : vector<16x512xf32> to vector<16x512xbf16>
      %convert_element_type3A_283 = arith.extf %convert_element_type3A_282 : vector<16x512xbf16> to vector<16x512xf32>
      %sub3A_284 = arith.subf %sub3A_281, %convert_element_type3A_283 : vector<16x512xf32>
      %convert_element_type3A_285 = arith.truncf %sub3A_284 : vector<16x512xf32> to vector<16x512xbf16>
      %dot_general3A_286 = arith.constant dense<0.000000e+00> : vector<256x16xf32>
      %dot_general3A_287 = tpu.matmul %convert_element_type3A_272, %convert_element_type3A_279, %dot_general3A_286 {dimension_numbers = #tpu.dot_dimension_numbers<[1], [1], [0], [0], [0, 0, 1, 0], [], []>, transpose_lhs_hint = false} : vector<256x512xbf16>, vector<16x512xbf16>, vector<256x16xf32> -> vector<256x16xf32>
      %dot_general3A_288 = arith.constant dense<0.000000e+00> : vector<256x16xf32>
      %dot_general3A_289 = tpu.matmul %convert_element_type3A_272, %convert_element_type3A_282, %dot_general3A_288 {dimension_numbers = #tpu.dot_dimension_numbers<[1], [1], [0], [0], [0, 0, 1, 0], [], []>, transpose_lhs_hint = false} : vector<256x512xbf16>, vector<16x512xbf16>, vector<256x16xf32> -> vector<256x16xf32>
      %dot_general3A_290 = arith.constant dense<0.000000e+00> : vector<256x16xf32>
      %dot_general3A_291 = tpu.matmul %convert_element_type3A_275, %convert_element_type3A_279, %dot_general3A_290 {dimension_numbers = #tpu.dot_dimension_numbers<[1], [1], [0], [0], [0, 0, 1, 0], [], []>, transpose_lhs_hint = false} : vector<256x512xbf16>, vector<16x512xbf16>, vector<256x16xf32> -> vector<256x16xf32>
      %add3A_292 = arith.addf %dot_general3A_289, %dot_general3A_291 : vector<256x16xf32>
      %add3A_293 = arith.addf %dot_general3A_287, %add3A_292 : vector<256x16xf32>
      %dot_general3A_294 = arith.constant dense<0.000000e+00> : vector<256x16xf32>
      %dot_general3A_295 = tpu.matmul %convert_element_type3A_272, %convert_element_type3A_285, %dot_general3A_294 {dimension_numbers = #tpu.dot_dimension_numbers<[1], [1], [0], [0], [0, 0, 1, 0], [], []>, transpose_lhs_hint = false} : vector<256x512xbf16>, vector<16x512xbf16>, vector<256x16xf32> -> vector<256x16xf32>
      %dot_general3A_296 = arith.constant dense<0.000000e+00> : vector<256x16xf32>
      %dot_general3A_297 = tpu.matmul %convert_element_type3A_275, %convert_element_type3A_282, %dot_general3A_296 {dimension_numbers = #tpu.dot_dimension_numbers<[1], [1], [0], [0], [0, 0, 1, 0], [], []>, transpose_lhs_hint = false} : vector<256x512xbf16>, vector<16x512xbf16>, vector<256x16xf32> -> vector<256x16xf32>
      %add3A_298 = arith.addf %dot_general3A_295, %dot_general3A_297 : vector<256x16xf32>
      %dot_general3A_299 = arith.constant dense<0.000000e+00> : vector<256x16xf32>
      %dot_general3A_300 = tpu.matmul %convert_element_type3A_278, %convert_element_type3A_279, %dot_general3A_299 {dimension_numbers = #tpu.dot_dimension_numbers<[1], [1], [0], [0], [0, 0, 1, 0], [], []>, transpose_lhs_hint = false} : vector<256x512xbf16>, vector<16x512xbf16>, vector<256x16xf32> -> vector<256x16xf32>
      %add3A_301 = arith.addf %add3A_298, %dot_general3A_300 : vector<256x16xf32>
      %add3A_302 = arith.addf %add3A_293, %add3A_301 : vector<256x16xf32>
      %div3A_303 = arith.constant 22.6274166 : f32
      %div3A_304 = vector.broadcast %div3A_303 : f32 to vector<256x16xf32>
      %div3A_305 = arith.divf %add3A_302, %div3A_304 : vector<256x16xf32>
      %reduce_max3A_306 = arith.constant dense<0xFF800000> : vector<256xf32>
      %reduce_max3A_307 = vector.multi_reduction <maximumf>, %div3A_305, %reduce_max3A_306 [1] : vector<256x16xf32> to vector<256xf32>
      %broadcast_in_dim3A_308 = vector.shape_cast %reduce_max3A_307 : vector<256xf32> to vector<256x1xf32>
      %sub3A_309 = vector.broadcast %broadcast_in_dim3A_308 : vector<256x1xf32> to vector<256x16xf32>
      %sub3A_310 = arith.subf %div3A_305, %sub3A_309 : vector<256x16xf32>
      %exp3A_311 = math.exp %sub3A_310 : vector<256x16xf32>
      %reduce_sum3A_312 = arith.constant dense<0.000000e+00> : vector<256xf32>
      %reduce_sum3A_313 = vector.multi_reduction <add>, %exp3A_311, %reduce_sum3A_312 [1] : vector<256x16xf32> to vector<256xf32>
      %broadcast_in_dim3A_314 = vector.shape_cast %reduce_sum3A_313 : vector<256xf32> to vector<256x1xf32>
      %div3A_315 = vector.broadcast %broadcast_in_dim3A_314 : vector<256x1xf32> to vector<256x16xf32>
      %div3A_316 = arith.divf %exp3A_311, %div3A_315 : vector<256x16xf32>
      %dot_general3A_317 = arith.constant dense<0.000000e+00> : vector<256x512xf32>
      %dot_general3A_318 = tpu.matmul %div3A_316, %get3A_271, %dot_general3A_317 {dimension_numbers = #tpu.dot_dimension_numbers<[1], [0], [0], [1], [0, 0, 1, 1], [], []>, precision = #tpu.contract_precision<fp32>, transpose_lhs_hint = false} : vector<256x16xf32>, vector<16x512xf32>, vector<256x512xf32> -> vector<256x512xf32>
      %add3A_319 = arith.addf %add3A_265, %dot_general3A_318 : vector<256x512xf32>
      %get3A_320 = arith.constant 0 : index
      %get3A_321 = arith.constant 0 : index
      %get3A_322 = vector.load %arg16[%get3A_320, %get3A_321] : memref<512x512xf32, #tpu.memory_space<vmem>>, vector<512x512xf32>
      %dot_general3A_323 = arith.constant dense<0.000000e+00> : vector<256x512xf32>
      %dot_general3A_324 = tpu.matmul %get3A_133, %get3A_322, %dot_general3A_323 {dimension_numbers = #tpu.dot_dimension_numbers<[1], [0], [0], [1], [0, 0, 1, 1], [], []>, precision = #tpu.contract_precision<fp32>, transpose_lhs_hint = false} : vector<256x512xf32>, vector<512x512xf32>, vector<256x512xf32> -> vector<256x512xf32>
      %add3A_325 = arith.addf %get3A_133, %dot_general3A_324 : vector<256x512xf32>
      %add3A_326 = arith.addf %add3A_325, %add3A_319 : vector<256x512xf32>
      %get3A_327 = arith.constant 0 : index
      %get3A_328 = arith.constant 0 : index
      %get3A_329 = vector.load %arg17[%get3A_327, %get3A_328] : memref<1x512xf32, #tpu.memory_space<vmem>>, vector<1x512xf32>
      %get3A_330 = arith.constant 0 : index
      %get3A_331 = arith.constant 0 : index
      %get3A_332 = vector.load %arg18[%get3A_330, %get3A_331] : memref<1x512xf32, #tpu.memory_space<vmem>>, vector<1x512xf32>
      %reduce_sum3A_333 = arith.constant dense<0.000000e+00> : vector<256xf32>
      %reduce_sum3A_334 = vector.multi_reduction <add>, %add3A_326, %reduce_sum3A_333 [1] : vector<256x512xf32> to vector<256xf32>
      %broadcast_in_dim3A_335 = vector.shape_cast %reduce_sum3A_334 : vector<256xf32> to vector<256x1xf32>
      %div3A_336 = arith.constant 5.120000e+02 : f32
      %div3A_337 = vector.broadcast %div3A_336 : f32 to vector<256x1xf32>
      %div3A_338 = arith.divf %broadcast_in_dim3A_335, %div3A_337 : vector<256x1xf32>
      %sub3A_339 = vector.broadcast %div3A_338 : vector<256x1xf32> to vector<256x512xf32>
      %sub3A_340 = arith.subf %add3A_326, %sub3A_339 : vector<256x512xf32>
      %sub3A_341 = vector.broadcast %div3A_338 : vector<256x1xf32> to vector<256x512xf32>
      %sub3A_342 = arith.subf %add3A_326, %sub3A_341 : vector<256x512xf32>
      %mul3A_343 = arith.mulf %sub3A_340, %sub3A_342 : vector<256x512xf32>
      %reduce_sum3A_344 = arith.constant dense<0.000000e+00> : vector<256xf32>
      %reduce_sum3A_345 = vector.multi_reduction <add>, %mul3A_343, %reduce_sum3A_344 [1] : vector<256x512xf32> to vector<256xf32>
      %broadcast_in_dim3A_346 = vector.shape_cast %reduce_sum3A_345 : vector<256xf32> to vector<256x1xf32>
      %div3A_347 = arith.constant 5.120000e+02 : f32
      %div3A_348 = vector.broadcast %div3A_347 : f32 to vector<256x1xf32>
      %div3A_349 = arith.divf %broadcast_in_dim3A_346, %div3A_348 : vector<256x1xf32>
      %sub3A_350 = vector.broadcast %div3A_338 : vector<256x1xf32> to vector<256x512xf32>
      %sub3A_351 = arith.subf %add3A_326, %sub3A_350 : vector<256x512xf32>
      %add3A_352 = arith.constant 9.99999974E-6 : f32
      %add3A_353 = vector.broadcast %add3A_352 : f32 to vector<256x1xf32>
      %add3A_354 = arith.addf %div3A_349, %add3A_353 : vector<256x1xf32>
      %rsqrt3A = math.rsqrt %add3A_354 : vector<256x1xf32>
      %mul3A_355 = vector.broadcast %rsqrt3A : vector<256x1xf32> to vector<256x512xf32>
      %mul3A_356 = arith.mulf %sub3A_351, %mul3A_355 : vector<256x512xf32>
      %mul3A_357 = vector.broadcast %get3A_329 : vector<1x512xf32> to vector<256x512xf32>
      %mul3A_358 = arith.mulf %mul3A_356, %mul3A_357 : vector<256x512xf32>
      %add3A_359 = vector.broadcast %get3A_332 : vector<1x512xf32> to vector<256x512xf32>
      %add3A_360 = arith.addf %mul3A_358, %add3A_359 : vector<256x512xf32>
      %swap3A_361 = arith.index_cast %mul3A_130 : i32 to index
      %swap3A_362 = arith.constant 0 : index
      %swap3A_363 = vector.load %arg30[%swap3A_361, %swap3A_362] : memref<2048x512xf32, #tpu.memory_space<vmem>>, vector<256x512xf32>
      tpu.vector_store %arg30[%swap3A_361, %swap3A_362], %add3A_360 {strides = array<i32>} : memref<2048x512xf32, #tpu.memory_space<vmem>>, vector<256x512xf32>,
    }
    %scan3A_67 = arith.constant 8 : i32
    %get3A_68 = arith.constant 0 : index
    %get3A_69 = arith.constant 0 : index
    %get3A_70 = vector.load %arg19[%get3A_68, %get3A_69] : memref<512x64xf32, #tpu.memory_space<vmem>>, vector<512x64xf32>
    %get3A_71 = arith.constant 0 : index
    %get3A_72 = arith.constant 0 : index
    %get3A_73 = vector.load %arg20[%get3A_71, %get3A_72] : memref<512x64xf32, #tpu.memory_space<vmem>>, vector<512x64xf32>
    %get3A_74 = arith.constant 0 : index
    %get3A_75 = arith.constant 0 : index
    %get3A_76 = vector.load %arg21[%get3A_74, %get3A_75] : memref<1x512xf32, #tpu.memory_space<vmem>>, vector<1x512xf32>
    %get3A_77 = arith.constant 0 : index
    %get3A_78 = arith.constant 0 : index
    %get3A_79 = vector.load %arg22[%get3A_77, %get3A_78] : memref<1x512xf32, #tpu.memory_space<vmem>>, vector<1x512xf32>
    %iota3A_80 = tpu.iota {dimensions = array<i32: 0>} : vector<256x288xi32>
    %iota3A_81 = tpu.iota {dimensions = array<i32: 1>} : vector<256x288xi32>
    %add3A_82 = arith.constant 1 : i32
    %add3A_83 = vector.broadcast %add3A_82 : i32 to vector<256x288xi32>
    %add3A_84 = arith.addi %iota3A_80, %add3A_83 : vector<256x288xi32>
    %ge3A_85 = arith.cmpi sge, %iota3A_81, %add3A_84 : vector<256x288xi32>
    %add3A_86 = arith.constant 32 : i32
    %add3A_87 = vector.broadcast %add3A_86 : i32 to vector<256x288xi32>
    %add3A_88 = arith.addi %iota3A_80, %add3A_87 : vector<256x288xi32>
    %le3A_89 = arith.cmpi sle, %iota3A_81, %add3A_88 : vector<256x288xi32>
    %and3A_90 = arith.andi %ge3A_85, %le3A_89 : vector<256x288xi1>
    %scan3A_91 = arith.constant 0 : i32
    %scan3A_92 = arith.constant 8 : i32
    %scan3A_93 = arith.addi %scan3A_91, %scan3A_92 : i32
    %scan3A_94 = arith.constant 1 : i32
    scf.for %scan3A_129 = %scan3A_91 to %scan3A_93 step %scan3A_94  : i32 {
      %mul3A = arith.constant 256 : i32
      %mul3A_130 = arith.muli %scan3A_129, %mul3A : i32
      %get3A_131 = arith.index_cast %mul3A_130 : i32 to index
      %get3A_132 = arith.constant 0 : index
      %get3A_133 = vector.load %arg30[%get3A_131, %get3A_132] : memref<2048x512xf32, #tpu.memory_space<vmem>>, vector<256x512xf32>
      %reduce_sum3A = arith.constant dense<0.000000e+00> : vector<256xf32>
      %reduce_sum3A_134 = vector.multi_reduction <add>, %get3A_133, %reduce_sum3A [1] : vector<256x512xf32> to vector<256xf32>
      %broadcast_in_dim3A_135 = vector.shape_cast %reduce_sum3A_134 : vector<256xf32> to vector<256x1xf32>
      %div3A = arith.constant 5.120000e+02 : f32
      %div3A_136 = vector.broadcast %div3A : f32 to vector<256x1xf32>
      %div3A_137 = arith.divf %broadcast_in_dim3A_135, %div3A_136 : vector<256x1xf32>
      %sub3A = vector.broadcast %div3A_137 : vector<256x1xf32> to vector<256x512xf32>
      %sub3A_138 = arith.subf %get3A_133, %sub3A : vector<256x512xf32>
      %sub3A_139 = vector.broadcast %div3A_137 : vector<256x1xf32> to vector<256x512xf32>
      %sub3A_140 = arith.subf %get3A_133, %sub3A_139 : vector<256x512xf32>
      %mul3A_141 = arith.mulf %sub3A_138, %sub3A_140 : vector<256x512xf32>
      %reduce_sum3A_142 = arith.constant dense<0.000000e+00> : vector<256xf32>
      %reduce_sum3A_143 = vector.multi_reduction <add>, %mul3A_141, %reduce_sum3A_142 [1] : vector<256x512xf32> to vector<256xf32>
      %broadcast_in_dim3A_144 = vector.shape_cast %reduce_sum3A_143 : vector<256xf32> to vector<256x1xf32>
      %div3A_145 = arith.constant 5.120000e+02 : f32
      %div3A_146 = vector.broadcast %div3A_145 : f32 to vector<256x1xf32>
      %div3A_147 = arith.divf %broadcast_in_dim3A_144, %div3A_146 : vector<256x1xf32>
      %sub3A_148 = vector.broadcast %div3A_137 : vector<256x1xf32> to vector<256x512xf32>
      %sub3A_149 = arith.subf %get3A_133, %sub3A_148 : vector<256x512xf32>
      %add3A_150 = arith.constant 9.99999974E-6 : f32
      %add3A_151 = vector.broadcast %add3A_150 : f32 to vector<256x1xf32>
      %add3A_152 = arith.addf %div3A_147, %add3A_151 : vector<256x1xf32>
      %rsqrt3A = math.rsqrt %add3A_152 : vector<256x1xf32>
      %mul3A_153 = vector.broadcast %rsqrt3A : vector<256x1xf32> to vector<256x512xf32>
      %mul3A_154 = arith.mulf %sub3A_149, %mul3A_153 : vector<256x512xf32>
      %mul3A_155 = vector.broadcast %get3A_76 : vector<1x512xf32> to vector<256x512xf32>
      %mul3A_156 = arith.mulf %mul3A_154, %mul3A_155 : vector<256x512xf32>
      %add3A_157 = vector.broadcast %get3A_79 : vector<1x512xf32> to vector<256x512xf32>
      %add3A_158 = arith.addf %mul3A_156, %add3A_157 : vector<256x512xf32>
      %add3A_159 = arith.constant 32 : i32
      %add3A_160 = arith.addi %mul3A_130, %add3A_159 : i32
      %swap3A_161 = arith.index_cast %add3A_160 : i32 to index
      %swap3A_162 = arith.constant 0 : index
      %swap3A_163 = vector.load %arg31[%swap3A_161, %swap3A_162] : memref<2080x512xf32, #tpu.memory_space<vmem>>, vector<256x512xf32>
      tpu.vector_store %arg31[%swap3A_161, %swap3A_162], %add3A_158 {strides = array<i32>} : memref<2080x512xf32, #tpu.memory_space<vmem>>, vector<256x512xf32>,
      %dot_general3A = arith.constant dense<0.000000e+00> : vector<256x64xf32>
      %dot_general3A_164 = tpu.matmul %add3A_158, %get3A_73, %dot_general3A {dimension_numbers = #tpu.dot_dimension_numbers<[1], [0], [0], [1], [0, 0, 1, 1], [], []>, precision = #tpu.contract_precision<fp32>, transpose_lhs_hint = false} : vector<256x512xf32>, vector<512x64xf32>, vector<256x64xf32> -> vector<256x64xf32>
      %add3A_165 = arith.constant 32 : i32
      %add3A_166 = arith.addi %mul3A_130, %add3A_165 : i32
      %swap3A_167 = arith.index_cast %add3A_166 : i32 to index
      %swap3A_168 = arith.constant 0 : index
      %swap3A_169 = vector.load %arg32[%swap3A_167, %swap3A_168] : memref<2080x64xf32, #tpu.memory_space<vmem>>, vector<256x64xf32>
      tpu.vector_store %arg32[%swap3A_167, %swap3A_168], %dot_general3A_164 {strides = array<i32>} : memref<2080x64xf32, #tpu.memory_space<vmem>>, vector<256x64xf32>,
      %dot_general3A_170 = arith.constant dense<0.000000e+00> : vector<256x64xf32>
      %dot_general3A_171 = tpu.matmul %add3A_158, %get3A_70, %dot_general3A_170 {dimension_numbers = #tpu.dot_dimension_numbers<[1], [0], [0], [1], [0, 0, 1, 1], [], []>, precision = #tpu.contract_precision<fp32>, transpose_lhs_hint = false} : vector<256x512xf32>, vector<512x64xf32>, vector<256x64xf32> -> vector<256x64xf32>
      %get3A_172 = arith.index_cast %mul3A_130 : i32 to index
      %get3A_173 = arith.constant 0 : index
      %get3A_174 = vector.load %arg32[%get3A_172, %get3A_173] : memref<2080x64xf32, #tpu.memory_space<vmem>>, vector<288x64xf32>
      %get3A_175 = arith.index_cast %mul3A_130 : i32 to index
      %get3A_176 = arith.constant 0 : index
      %get3A_177 = vector.load %arg31[%get3A_175, %get3A_176] : memref<2080x512xf32, #tpu.memory_space<vmem>>, vector<288x512xf32>
      %convert_element_type3A = arith.truncf %dot_general3A_171 : vector<256x64xf32> to vector<256x64xbf16>
      %convert_element_type3A_178 = arith.extf %convert_element_type3A : vector<256x64xbf16> to vector<256x64xf32>
      %sub3A_179 = arith.subf %dot_general3A_171, %convert_element_type3A_178 : vector<256x64xf32>
      %convert_element_type3A_180 = arith.truncf %sub3A_179 : vector<256x64xf32> to vector<256x64xbf16>
      %convert_element_type3A_181 = arith.extf %convert_element_type3A_180 : vector<256x64xbf16> to vector<256x64xf32>
      %sub3A_182 = arith.subf %sub3A_179, %convert_element_type3A_181 : vector<256x64xf32>
      %convert_element_type3A_183 = arith.truncf %sub3A_182 : vector<256x64xf32> to vector<256x64xbf16>
      %convert_element_type3A_184 = arith.truncf %get3A_174 : vector<288x64xf32> to vector<288x64xbf16>
      %convert_element_type3A_185 = arith.extf %convert_element_type3A_184 : vector<288x64xbf16> to vector<288x64xf32>
      %sub3A_186 = arith.subf %get3A_174, %convert_element_type3A_185 : vector<288x64xf32>
      %convert_element_type3A_187 = arith.truncf %sub3A_186 : vector<288x64xf32> to vector<288x64xbf16>
      %convert_element_type3A_188 = arith.extf %convert_element_type3A_187 : vector<288x64xbf16> to vector<288x64xf32>
      %sub3A_189 = arith.subf %sub3A_186, %convert_element_type3A_188 : vector<288x64xf32>
      %convert_element_type3A_190 = arith.truncf %sub3A_189 : vector<288x64xf32> to vector<288x64xbf16>
      %dot_general3A_191 = arith.constant dense<0.000000e+00> : vector<256x288xf32>
      %dot_general3A_192 = tpu.matmul %convert_element_type3A, %convert_element_type3A_184, %dot_general3A_191 {dimension_numbers = #tpu.dot_dimension_numbers<[1], [1], [0], [0], [0, 0, 1, 0], [], []>, transpose_lhs_hint = false} : vector<256x64xbf16>, vector<288x64xbf16>, vector<256x288xf32> -> vector<256x288xf32>
      %dot_general3A_193 = arith.constant dense<0.000000e+00> : vector<256x288xf32>
      %dot_general3A_194 = tpu.matmul %convert_element_type3A, %convert_element_type3A_187, %dot_general3A_193 {dimension_numbers = #tpu.dot_dimension_numbers<[1], [1], [0], [0], [0, 0, 1, 0], [], []>, transpose_lhs_hint = false} : vector<256x64xbf16>, vector<288x64xbf16>, vector<256x288xf32> -> vector<256x288xf32>
      %dot_general3A_195 = arith.constant dense<0.000000e+00> : vector<256x288xf32>
      %dot_general3A_196 = tpu.matmul %convert_element_type3A_180, %convert_element_type3A_184, %dot_general3A_195 {dimension_numbers = #tpu.dot_dimension_numbers<[1], [1], [0], [0], [0, 0, 1, 0], [], []>, transpose_lhs_hint = false} : vector<256x64xbf16>, vector<288x64xbf16>, vector<256x288xf32> -> vector<256x288xf32>
      %add3A_197 = arith.addf %dot_general3A_194, %dot_general3A_196 : vector<256x288xf32>
      %add3A_198 = arith.addf %dot_general3A_192, %add3A_197 : vector<256x288xf32>
      %dot_general3A_199 = arith.constant dense<0.000000e+00> : vector<256x288xf32>
      %dot_general3A_200 = tpu.matmul %convert_element_type3A, %convert_element_type3A_190, %dot_general3A_199 {dimension_numbers = #tpu.dot_dimension_numbers<[1], [1], [0], [0], [0, 0, 1, 0], [], []>, transpose_lhs_hint = false} : vector<256x64xbf16>, vector<288x64xbf16>, vector<256x288xf32> -> vector<256x288xf32>
      %dot_general3A_201 = arith.constant dense<0.000000e+00> : vector<256x288xf32>
      %dot_general3A_202 = tpu.matmul %convert_element_type3A_180, %convert_element_type3A_187, %dot_general3A_201 {dimension_numbers = #tpu.dot_dimension_numbers<[1], [1], [0], [0], [0, 0, 1, 0], [], []>, transpose_lhs_hint = false} : vector<256x64xbf16>, vector<288x64xbf16>, vector<256x288xf32> -> vector<256x288xf32>
      %add3A_203 = arith.addf %dot_general3A_200, %dot_general3A_202 : vector<256x288xf32>
      %dot_general3A_204 = arith.constant dense<0.000000e+00> : vector<256x288xf32>
      %dot_general3A_205 = tpu.matmul %convert_element_type3A_183, %convert_element_type3A_184, %dot_general3A_204 {dimension_numbers = #tpu.dot_dimension_numbers<[1], [1], [0], [0], [0, 0, 1, 0], [], []>, transpose_lhs_hint = false} : vector<256x64xbf16>, vector<288x64xbf16>, vector<256x288xf32> -> vector<256x288xf32>
      %add3A_206 = arith.addf %add3A_203, %dot_general3A_205 : vector<256x288xf32>
      %add3A_207 = arith.addf %add3A_198, %add3A_206 : vector<256x288xf32>
      %mul3A_208 = arith.constant 1.250000e-01 : f32
      %mul3A_209 = vector.broadcast %mul3A_208 : f32 to vector<256x288xf32>
      %mul3A_210 = arith.mulf %add3A_207, %mul3A_209 : vector<256x288xf32>
      %add3A_211 = vector.broadcast %mul3A_130 : i32 to vector<256x288xi32>
      %add3A_212 = arith.addi %iota3A_81, %add3A_211 : vector<256x288xi32>
      %ge3A_213 = arith.constant 32 : i32
      %ge3A_214 = vector.broadcast %ge3A_213 : i32 to vector<256x288xi32>
      %ge3A_215 = arith.cmpi sge, %add3A_212, %ge3A_214 : vector<256x288xi32>
      %and3A_216 = arith.andi %and3A_90, %ge3A_215 : vector<256x288xi1>
      %jit3A = arith.constant 0.000000e+00 : f32
      %broadcast_in_dim3A_217 = vector.broadcast %jit3A : f32 to vector<256x288xf32>
      %select_n3A = arith.select %and3A_216, %mul3A_210, %broadcast_in_dim3A_217 : vector<256x288xi1>, vector<256x288xf32>
      %abs3A = math.absf %mul3A_210 : vector<256x288xf32>
      %jit3A_218 = arith.constant 0xFF800000 : f32
      %broadcast_in_dim3A_219 = vector.broadcast %jit3A_218 : f32 to vector<256x288xf32>
      %select_n3A_220 = arith.select %and3A_216, %abs3A, %broadcast_in_dim3A_219 : vector<256x288xi1>, vector<256x288xf32>
      %reduce_max3A = arith.constant dense<0xFF800000> : vector<256xf32>
      %reduce_max3A_221 = vector.multi_reduction <maximumf>, %select_n3A_220, %reduce_max3A [1] : vector<256x288xf32> to vector<256xf32>
      %broadcast_in_dim3A_222 = vector.shape_cast %reduce_max3A_221 : vector<256xf32> to vector<256x1xf32>
      %sub3A_223 = vector.broadcast %broadcast_in_dim3A_222 : vector<256x1xf32> to vector<256x288xf32>
      %sub3A_224 = arith.subf %select_n3A_220, %sub3A_223 : vector<256x288xf32>
      %exp3A = math.exp %sub3A_224 : vector<256x288xf32>
      %reduce_sum3A_225 = arith.constant dense<0.000000e+00> : vector<256xf32>
      %reduce_sum3A_226 = vector.multi_reduction <add>, %exp3A, %reduce_sum3A_225 [1] : vector<256x288xf32> to vector<256xf32>
      %broadcast_in_dim3A_227 = vector.shape_cast %reduce_sum3A_226 : vector<256xf32> to vector<256x1xf32>
      %div3A_228 = vector.broadcast %broadcast_in_dim3A_227 : vector<256x1xf32> to vector<256x288xf32>
      %div3A_229 = arith.divf %exp3A, %div3A_228 : vector<256x288xf32>
      %sign3A = tpu.bitcast %select_n3A : vector<256x288xf32> -> vector<256x288xi32>
      %sign3A_230 = arith.constant -2147483648 : i32
      %sign3A_231 = vector.broadcast %sign3A_230 : i32 to vector<256x288xi32>
      %sign3A_232 = arith.andi %sign3A, %sign3A_231 : vector<256x288xi32>
      %sign3A_233 = arith.constant 1065353216 : i32
      %sign3A_234 = vector.broadcast %sign3A_233 : i32 to vector<256x288xi32>
      %sign3A_235 = arith.ori %sign3A_234, %sign3A_232 : vector<256x288xi32>
      %sign3A_236 = tpu.bitcast %sign3A_235 : vector<256x288xi32> -> vector<256x288xf32>
      %sign3A_237 = math.absf %select_n3A : vector<256x288xf32>
      %sign3A_238 = arith.constant 0.000000e+00 : f32
      %sign3A_239 = vector.broadcast %sign3A_238 : f32 to vector<256x288xf32>
      %sign3A_240 = arith.cmpf ogt, %sign3A_237, %sign3A_239 : vector<256x288xf32>
      %sign3A_241 = arith.select %sign3A_240, %sign3A_236, %select_n3A : vector<256x288xi1>, vector<256x288xf32>
      %mul3A_242 = arith.mulf %div3A_229, %sign3A_241 : vector<256x288xf32>
      %dot_general3A_243 = arith.constant dense<0.000000e+00> : vector<256x512xf32>
      %dot_general3A_244 = tpu.matmul %mul3A_242, %get3A_177, %dot_general3A_243 {dimension_numbers = #tpu.dot_dimension_numbers<[1], [0], [0], [1], [0, 0, 1, 1], [], []>, precision = #tpu.contract_precision<fp32>, transpose_lhs_hint = false} : vector<256x288xf32>, vector<288x512xf32>, vector<256x512xf32> -> vector<256x512xf32>
      %add3A_245 = arith.addf %get3A_133, %dot_general3A_244 : vector<256x512xf32>
      %swap3A_246 = arith.index_cast %mul3A_130 : i32 to index
      %swap3A_247 = arith.constant 0 : index
      %swap3A_248 = vector.load %arg30[%swap3A_246, %swap3A_247] : memref<2048x512xf32, #tpu.memory_space<vmem>>, vector<256x512xf32>
      tpu.vector_store %arg30[%swap3A_246, %swap3A_247], %add3A_245 {strides = array<i32>} : memref<2048x512xf32, #tpu.memory_space<vmem>>, vector<256x512xf32>,
    }
    %scan3A_95 = arith.constant 8 : i32
    %get3A_96 = arith.constant 0 : index
    %get3A_97 = arith.constant 0 : index
    %get3A_98 = vector.load %arg23[%get3A_96, %get3A_97] : memref<512x64xf32, #tpu.memory_space<vmem>>, vector<512x64xf32>
    %get3A_99 = arith.constant 0 : index
    %get3A_100 = arith.constant 0 : index
    %get3A_101 = vector.load %arg24[%get3A_99, %get3A_100] : memref<512x64xf32, #tpu.memory_space<vmem>>, vector<512x64xf32>
    %get3A_102 = arith.constant 0 : index
    %get3A_103 = arith.constant 0 : index
    %get3A_104 = vector.load %arg25[%get3A_102, %get3A_103] : memref<1x512xf32, #tpu.memory_space<vmem>>, vector<1x512xf32>
    %get3A_105 = arith.constant 0 : index
    %get3A_106 = arith.constant 0 : index
    %get3A_107 = vector.load %arg26[%get3A_105, %get3A_106] : memref<1x512xf32, #tpu.memory_space<vmem>>, vector<1x512xf32>
    %iota3A_108 = tpu.iota {dimensions = array<i32: 0>} : vector<256x288xi32>
    %iota3A_109 = tpu.iota {dimensions = array<i32: 1>} : vector<256x288xi32>
    %add3A_110 = arith.constant 1 : i32
    %add3A_111 = vector.broadcast %add3A_110 : i32 to vector<256x288xi32>
    %add3A_112 = arith.addi %iota3A_108, %add3A_111 : vector<256x288xi32>
    %ge3A_113 = arith.cmpi sge, %iota3A_109, %add3A_112 : vector<256x288xi32>
    %add3A_114 = arith.constant 32 : i32
    %add3A_115 = vector.broadcast %add3A_114 : i32 to vector<256x288xi32>
    %add3A_116 = arith.addi %iota3A_108, %add3A_115 : vector<256x288xi32>
    %le3A_117 = arith.cmpi sle, %iota3A_109, %add3A_116 : vector<256x288xi32>
    %and3A_118 = arith.andi %ge3A_113, %le3A_117 : vector<256x288xi1>
    %scan3A_119 = arith.constant 0 : i32
    %scan3A_120 = arith.constant 8 : i32
    %scan3A_121 = arith.addi %scan3A_119, %scan3A_120 : i32
    %scan3A_122 = arith.constant 1 : i32
    scf.for %scan3A_129 = %scan3A_119 to %scan3A_121 step %scan3A_122  : i32 {
      %mul3A = arith.constant 256 : i32
      %mul3A_130 = arith.muli %scan3A_129, %mul3A : i32
      %get3A_131 = arith.index_cast %mul3A_130 : i32 to index
      %get3A_132 = arith.constant 0 : index
      %get3A_133 = vector.load %arg30[%get3A_131, %get3A_132] : memref<2048x512xf32, #tpu.memory_space<vmem>>, vector<256x512xf32>
      %reduce_sum3A = arith.constant dense<0.000000e+00> : vector<256xf32>
      %reduce_sum3A_134 = vector.multi_reduction <add>, %get3A_133, %reduce_sum3A [1] : vector<256x512xf32> to vector<256xf32>
      %broadcast_in_dim3A_135 = vector.shape_cast %reduce_sum3A_134 : vector<256xf32> to vector<256x1xf32>
      %div3A = arith.constant 5.120000e+02 : f32
      %div3A_136 = vector.broadcast %div3A : f32 to vector<256x1xf32>
      %div3A_137 = arith.divf %broadcast_in_dim3A_135, %div3A_136 : vector<256x1xf32>
      %sub3A = vector.broadcast %div3A_137 : vector<256x1xf32> to vector<256x512xf32>
      %sub3A_138 = arith.subf %get3A_133, %sub3A : vector<256x512xf32>
      %sub3A_139 = vector.broadcast %div3A_137 : vector<256x1xf32> to vector<256x512xf32>
      %sub3A_140 = arith.subf %get3A_133, %sub3A_139 : vector<256x512xf32>
      %mul3A_141 = arith.mulf %sub3A_138, %sub3A_140 : vector<256x512xf32>
      %reduce_sum3A_142 = arith.constant dense<0.000000e+00> : vector<256xf32>
      %reduce_sum3A_143 = vector.multi_reduction <add>, %mul3A_141, %reduce_sum3A_142 [1] : vector<256x512xf32> to vector<256xf32>
      %broadcast_in_dim3A_144 = vector.shape_cast %reduce_sum3A_143 : vector<256xf32> to vector<256x1xf32>
      %div3A_145 = arith.constant 5.120000e+02 : f32
      %div3A_146 = vector.broadcast %div3A_145 : f32 to vector<256x1xf32>
      %div3A_147 = arith.divf %broadcast_in_dim3A_144, %div3A_146 : vector<256x1xf32>
      %sub3A_148 = vector.broadcast %div3A_137 : vector<256x1xf32> to vector<256x512xf32>
      %sub3A_149 = arith.subf %get3A_133, %sub3A_148 : vector<256x512xf32>
      %add3A_150 = arith.constant 9.99999974E-6 : f32
      %add3A_151 = vector.broadcast %add3A_150 : f32 to vector<256x1xf32>
      %add3A_152 = arith.addf %div3A_147, %add3A_151 : vector<256x1xf32>
      %rsqrt3A = math.rsqrt %add3A_152 : vector<256x1xf32>
      %mul3A_153 = vector.broadcast %rsqrt3A : vector<256x1xf32> to vector<256x512xf32>
      %mul3A_154 = arith.mulf %sub3A_149, %mul3A_153 : vector<256x512xf32>
      %mul3A_155 = vector.broadcast %get3A_104 : vector<1x512xf32> to vector<256x512xf32>
      %mul3A_156 = arith.mulf %mul3A_154, %mul3A_155 : vector<256x512xf32>
      %add3A_157 = vector.broadcast %get3A_107 : vector<1x512xf32> to vector<256x512xf32>
      %add3A_158 = arith.addf %mul3A_156, %add3A_157 : vector<256x512xf32>
      %add3A_159 = arith.constant 32 : i32
      %add3A_160 = arith.addi %mul3A_130, %add3A_159 : i32
      %swap3A_161 = arith.index_cast %add3A_160 : i32 to index
      %swap3A_162 = arith.constant 0 : index
      %swap3A_163 = vector.load %arg31[%swap3A_161, %swap3A_162] : memref<2080x512xf32, #tpu.memory_space<vmem>>, vector<256x512xf32>
      tpu.vector_store %arg31[%swap3A_161, %swap3A_162], %add3A_158 {strides = array<i32>} : memref<2080x512xf32, #tpu.memory_space<vmem>>, vector<256x512xf32>,
      %dot_general3A = arith.constant dense<0.000000e+00> : vector<256x64xf32>
      %dot_general3A_164 = tpu.matmul %add3A_158, %get3A_101, %dot_general3A {dimension_numbers = #tpu.dot_dimension_numbers<[1], [0], [0], [1], [0, 0, 1, 1], [], []>, precision = #tpu.contract_precision<fp32>, transpose_lhs_hint = false} : vector<256x512xf32>, vector<512x64xf32>, vector<256x64xf32> -> vector<256x64xf32>
      %add3A_165 = arith.constant 32 : i32
      %add3A_166 = arith.addi %mul3A_130, %add3A_165 : i32
      %swap3A_167 = arith.index_cast %add3A_166 : i32 to index
      %swap3A_168 = arith.constant 0 : index
      %swap3A_169 = vector.load %arg32[%swap3A_167, %swap3A_168] : memref<2080x64xf32, #tpu.memory_space<vmem>>, vector<256x64xf32>
      tpu.vector_store %arg32[%swap3A_167, %swap3A_168], %dot_general3A_164 {strides = array<i32>} : memref<2080x64xf32, #tpu.memory_space<vmem>>, vector<256x64xf32>,
      %dot_general3A_170 = arith.constant dense<0.000000e+00> : vector<256x64xf32>
      %dot_general3A_171 = tpu.matmul %add3A_158, %get3A_98, %dot_general3A_170 {dimension_numbers = #tpu.dot_dimension_numbers<[1], [0], [0], [1], [0, 0, 1, 1], [], []>, precision = #tpu.contract_precision<fp32>, transpose_lhs_hint = false} : vector<256x512xf32>, vector<512x64xf32>, vector<256x64xf32> -> vector<256x64xf32>
      %get3A_172 = arith.index_cast %mul3A_130 : i32 to index
      %get3A_173 = arith.constant 0 : index
      %get3A_174 = vector.load %arg32[%get3A_172, %get3A_173] : memref<2080x64xf32, #tpu.memory_space<vmem>>, vector<288x64xf32>
      %get3A_175 = arith.index_cast %mul3A_130 : i32 to index
      %get3A_176 = arith.constant 0 : index
      %get3A_177 = vector.load %arg31[%get3A_175, %get3A_176] : memref<2080x512xf32, #tpu.memory_space<vmem>>, vector<288x512xf32>
      %convert_element_type3A = arith.truncf %dot_general3A_171 : vector<256x64xf32> to vector<256x64xbf16>
      %convert_element_type3A_178 = arith.extf %convert_element_type3A : vector<256x64xbf16> to vector<256x64xf32>
      %sub3A_179 = arith.subf %dot_general3A_171, %convert_element_type3A_178 : vector<256x64xf32>
      %convert_element_type3A_180 = arith.truncf %sub3A_179 : vector<256x64xf32> to vector<256x64xbf16>
      %convert_element_type3A_181 = arith.extf %convert_element_type3A_180 : vector<256x64xbf16> to vector<256x64xf32>
      %sub3A_182 = arith.subf %sub3A_179, %convert_element_type3A_181 : vector<256x64xf32>
      %convert_element_type3A_183 = arith.truncf %sub3A_182 : vector<256x64xf32> to vector<256x64xbf16>
      %convert_element_type3A_184 = arith.truncf %get3A_174 : vector<288x64xf32> to vector<288x64xbf16>
      %convert_element_type3A_185 = arith.extf %convert_element_type3A_184 : vector<288x64xbf16> to vector<288x64xf32>
      %sub3A_186 = arith.subf %get3A_174, %convert_element_type3A_185 : vector<288x64xf32>
      %convert_element_type3A_187 = arith.truncf %sub3A_186 : vector<288x64xf32> to vector<288x64xbf16>
      %convert_element_type3A_188 = arith.extf %convert_element_type3A_187 : vector<288x64xbf16> to vector<288x64xf32>
      %sub3A_189 = arith.subf %sub3A_186, %convert_element_type3A_188 : vector<288x64xf32>
      %convert_element_type3A_190 = arith.truncf %sub3A_189 : vector<288x64xf32> to vector<288x64xbf16>
      %dot_general3A_191 = arith.constant dense<0.000000e+00> : vector<256x288xf32>
      %dot_general3A_192 = tpu.matmul %convert_element_type3A, %convert_element_type3A_184, %dot_general3A_191 {dimension_numbers = #tpu.dot_dimension_numbers<[1], [1], [0], [0], [0, 0, 1, 0], [], []>, transpose_lhs_hint = false} : vector<256x64xbf16>, vector<288x64xbf16>, vector<256x288xf32> -> vector<256x288xf32>
      %dot_general3A_193 = arith.constant dense<0.000000e+00> : vector<256x288xf32>
      %dot_general3A_194 = tpu.matmul %convert_element_type3A, %convert_element_type3A_187, %dot_general3A_193 {dimension_numbers = #tpu.dot_dimension_numbers<[1], [1], [0], [0], [0, 0, 1, 0], [], []>, transpose_lhs_hint = false} : vector<256x64xbf16>, vector<288x64xbf16>, vector<256x288xf32> -> vector<256x288xf32>
      %dot_general3A_195 = arith.constant dense<0.000000e+00> : vector<256x288xf32>
      %dot_general3A_196 = tpu.matmul %convert_element_type3A_180, %convert_element_type3A_184, %dot_general3A_195 {dimension_numbers = #tpu.dot_dimension_numbers<[1], [1], [0], [0], [0, 0, 1, 0], [], []>, transpose_lhs_hint = false} : vector<256x64xbf16>, vector<288x64xbf16>, vector<256x288xf32> -> vector<256x288xf32>
      %add3A_197 = arith.addf %dot_general3A_194, %dot_general3A_196 : vector<256x288xf32>
      %add3A_198 = arith.addf %dot_general3A_192, %add3A_197 : vector<256x288xf32>
      %dot_general3A_199 = arith.constant dense<0.000000e+00> : vector<256x288xf32>
      %dot_general3A_200 = tpu.matmul %convert_element_type3A, %convert_element_type3A_190, %dot_general3A_199 {dimension_numbers = #tpu.dot_dimension_numbers<[1], [1], [0], [0], [0, 0, 1, 0], [], []>, transpose_lhs_hint = false} : vector<256x64xbf16>, vector<288x64xbf16>, vector<256x288xf32> -> vector<256x288xf32>
      %dot_general3A_201 = arith.constant dense<0.000000e+00> : vector<256x288xf32>
      %dot_general3A_202 = tpu.matmul %convert_element_type3A_180, %convert_element_type3A_187, %dot_general3A_201 {dimension_numbers = #tpu.dot_dimension_numbers<[1], [1], [0], [0], [0, 0, 1, 0], [], []>, transpose_lhs_hint = false} : vector<256x64xbf16>, vector<288x64xbf16>, vector<256x288xf32> -> vector<256x288xf32>
      %add3A_203 = arith.addf %dot_general3A_200, %dot_general3A_202 : vector<256x288xf32>
      %dot_general3A_204 = arith.constant dense<0.000000e+00> : vector<256x288xf32>
      %dot_general3A_205 = tpu.matmul %convert_element_type3A_183, %convert_element_type3A_184, %dot_general3A_204 {dimension_numbers = #tpu.dot_dimension_numbers<[1], [1], [0], [0], [0, 0, 1, 0], [], []>, transpose_lhs_hint = false} : vector<256x64xbf16>, vector<288x64xbf16>, vector<256x288xf32> -> vector<256x288xf32>
      %add3A_206 = arith.addf %add3A_203, %dot_general3A_205 : vector<256x288xf32>
      %add3A_207 = arith.addf %add3A_198, %add3A_206 : vector<256x288xf32>
      %mul3A_208 = arith.constant 1.250000e-01 : f32
      %mul3A_209 = vector.broadcast %mul3A_208 : f32 to vector<256x288xf32>
      %mul3A_210 = arith.mulf %add3A_207, %mul3A_209 : vector<256x288xf32>
      %add3A_211 = vector.broadcast %mul3A_130 : i32 to vector<256x288xi32>
      %add3A_212 = arith.addi %iota3A_109, %add3A_211 : vector<256x288xi32>
      %ge3A_213 = arith.constant 32 : i32
      %ge3A_214 = vector.broadcast %ge3A_213 : i32 to vector<256x288xi32>
      %ge3A_215 = arith.cmpi sge, %add3A_212, %ge3A_214 : vector<256x288xi32>
      %and3A_216 = arith.andi %and3A_118, %ge3A_215 : vector<256x288xi1>
      %jit3A = arith.constant 0.000000e+00 : f32
      %broadcast_in_dim3A_217 = vector.broadcast %jit3A : f32 to vector<256x288xf32>
      %select_n3A = arith.select %and3A_216, %mul3A_210, %broadcast_in_dim3A_217 : vector<256x288xi1>, vector<256x288xf32>
      %abs3A = math.absf %mul3A_210 : vector<256x288xf32>
      %jit3A_218 = arith.constant 0xFF800000 : f32
      %broadcast_in_dim3A_219 = vector.broadcast %jit3A_218 : f32 to vector<256x288xf32>
      %select_n3A_220 = arith.select %and3A_216, %abs3A, %broadcast_in_dim3A_219 : vector<256x288xi1>, vector<256x288xf32>
      %reduce_max3A = arith.constant dense<0xFF800000> : vector<256xf32>
      %reduce_max3A_221 = vector.multi_reduction <maximumf>, %select_n3A_220, %reduce_max3A [1] : vector<256x288xf32> to vector<256xf32>
      %broadcast_in_dim3A_222 = vector.shape_cast %reduce_max3A_221 : vector<256xf32> to vector<256x1xf32>
      %sub3A_223 = vector.broadcast %broadcast_in_dim3A_222 : vector<256x1xf32> to vector<256x288xf32>
      %sub3A_224 = arith.subf %select_n3A_220, %sub3A_223 : vector<256x288xf32>
      %exp3A = math.exp %sub3A_224 : vector<256x288xf32>
      %reduce_sum3A_225 = arith.constant dense<0.000000e+00> : vector<256xf32>
      %reduce_sum3A_226 = vector.multi_reduction <add>, %exp3A, %reduce_sum3A_225 [1] : vector<256x288xf32> to vector<256xf32>
      %broadcast_in_dim3A_227 = vector.shape_cast %reduce_sum3A_226 : vector<256xf32> to vector<256x1xf32>
      %div3A_228 = vector.broadcast %broadcast_in_dim3A_227 : vector<256x1xf32> to vector<256x288xf32>
      %div3A_229 = arith.divf %exp3A, %div3A_228 : vector<256x288xf32>
      %sign3A = tpu.bitcast %select_n3A : vector<256x288xf32> -> vector<256x288xi32>
      %sign3A_230 = arith.constant -2147483648 : i32
      %sign3A_231 = vector.broadcast %sign3A_230 : i32 to vector<256x288xi32>
      %sign3A_232 = arith.andi %sign3A, %sign3A_231 : vector<256x288xi32>
      %sign3A_233 = arith.constant 1065353216 : i32
      %sign3A_234 = vector.broadcast %sign3A_233 : i32 to vector<256x288xi32>
      %sign3A_235 = arith.ori %sign3A_234, %sign3A_232 : vector<256x288xi32>
      %sign3A_236 = tpu.bitcast %sign3A_235 : vector<256x288xi32> -> vector<256x288xf32>
      %sign3A_237 = math.absf %select_n3A : vector<256x288xf32>
      %sign3A_238 = arith.constant 0.000000e+00 : f32
      %sign3A_239 = vector.broadcast %sign3A_238 : f32 to vector<256x288xf32>
      %sign3A_240 = arith.cmpf ogt, %sign3A_237, %sign3A_239 : vector<256x288xf32>
      %sign3A_241 = arith.select %sign3A_240, %sign3A_236, %select_n3A : vector<256x288xi1>, vector<256x288xf32>
      %mul3A_242 = arith.mulf %div3A_229, %sign3A_241 : vector<256x288xf32>
      %dot_general3A_243 = arith.constant dense<0.000000e+00> : vector<256x512xf32>
      %dot_general3A_244 = tpu.matmul %mul3A_242, %get3A_177, %dot_general3A_243 {dimension_numbers = #tpu.dot_dimension_numbers<[1], [0], [0], [1], [0, 0, 1, 1], [], []>, precision = #tpu.contract_precision<fp32>, transpose_lhs_hint = false} : vector<256x288xf32>, vector<288x512xf32>, vector<256x512xf32> -> vector<256x512xf32>
      %add3A_245 = arith.addf %get3A_133, %dot_general3A_244 : vector<256x512xf32>
      %swap3A_246 = arith.index_cast %mul3A_130 : i32 to index
      %swap3A_247 = arith.constant 0 : index
      %swap3A_248 = vector.load %arg30[%swap3A_246, %swap3A_247] : memref<2048x512xf32, #tpu.memory_space<vmem>>, vector<256x512xf32>
      tpu.vector_store %arg30[%swap3A_246, %swap3A_247], %add3A_245 {strides = array<i32>} : memref<2048x512xf32, #tpu.memory_space<vmem>>, vector<256x512xf32>,
    }
    %scan3A_123 = arith.constant 8 : i32
    %scan3A_124 = arith.constant 0 : i32
    %scan3A_125 = arith.constant 8 : i32
    %scan3A_126 = arith.addi %scan3A_124, %scan3A_125 : i32
    %scan3A_127 = arith.constant 1 : i32
    scf.for %scan3A_129 = %scan3A_124 to %scan3A_126 step %scan3A_127  : i32 {
      %mul3A = arith.constant 256 : i32
      %mul3A_130 = arith.muli %scan3A_129, %mul3A : i32
      %get3A_131 = arith.index_cast %mul3A_130 : i32 to index
      %get3A_132 = arith.constant 0 : index
      %get3A_133 = vector.load %arg30[%get3A_131, %get3A_132] : memref<2048x512xf32, #tpu.memory_space<vmem>>, vector<256x512xf32>
      %get3A_134 = arith.constant 0 : index
      %get3A_135 = arith.constant 0 : index
      %get3A_136 = vector.load %arg27[%get3A_134, %get3A_135] : memref<1x512xf32, #tpu.memory_space<vmem>>, vector<1x512xf32>
      %get3A_137 = arith.constant 0 : index
      %get3A_138 = arith.constant 0 : index
      %get3A_139 = vector.load %arg28[%get3A_137, %get3A_138] : memref<1x512xf32, #tpu.memory_space<vmem>>, vector<1x512xf32>
      %reduce_sum3A = arith.constant dense<0.000000e+00> : vector<256xf32>
      %reduce_sum3A_140 = vector.multi_reduction <add>, %get3A_133, %reduce_sum3A [1] : vector<256x512xf32> to vector<256xf32>
      %broadcast_in_dim3A_141 = vector.shape_cast %reduce_sum3A_140 : vector<256xf32> to vector<256x1xf32>
      %div3A = arith.constant 5.120000e+02 : f32
      %div3A_142 = vector.broadcast %div3A : f32 to vector<256x1xf32>
      %div3A_143 = arith.divf %broadcast_in_dim3A_141, %div3A_142 : vector<256x1xf32>
      %sub3A = vector.broadcast %div3A_143 : vector<256x1xf32> to vector<256x512xf32>
      %sub3A_144 = arith.subf %get3A_133, %sub3A : vector<256x512xf32>
      %sub3A_145 = vector.broadcast %div3A_143 : vector<256x1xf32> to vector<256x512xf32>
      %sub3A_146 = arith.subf %get3A_133, %sub3A_145 : vector<256x512xf32>
      %mul3A_147 = arith.mulf %sub3A_144, %sub3A_146 : vector<256x512xf32>
      %reduce_sum3A_148 = arith.constant dense<0.000000e+00> : vector<256xf32>
      %reduce_sum3A_149 = vector.multi_reduction <add>, %mul3A_147, %reduce_sum3A_148 [1] : vector<256x512xf32> to vector<256xf32>
      %broadcast_in_dim3A_150 = vector.shape_cast %reduce_sum3A_149 : vector<256xf32> to vector<256x1xf32>
      %div3A_151 = arith.constant 5.120000e+02 : f32
      %div3A_152 = vector.broadcast %div3A_151 : f32 to vector<256x1xf32>
      %div3A_153 = arith.divf %broadcast_in_dim3A_150, %div3A_152 : vector<256x1xf32>
      %sub3A_154 = vector.broadcast %div3A_143 : vector<256x1xf32> to vector<256x512xf32>
      %sub3A_155 = arith.subf %get3A_133, %sub3A_154 : vector<256x512xf32>
      %add3A_156 = arith.constant 9.99999974E-6 : f32
      %add3A_157 = vector.broadcast %add3A_156 : f32 to vector<256x1xf32>
      %add3A_158 = arith.addf %div3A_153, %add3A_157 : vector<256x1xf32>
      %rsqrt3A = math.rsqrt %add3A_158 : vector<256x1xf32>
      %mul3A_159 = vector.broadcast %rsqrt3A : vector<256x1xf32> to vector<256x512xf32>
      %mul3A_160 = arith.mulf %sub3A_155, %mul3A_159 : vector<256x512xf32>
      %mul3A_161 = vector.broadcast %get3A_136 : vector<1x512xf32> to vector<256x512xf32>
      %mul3A_162 = arith.mulf %mul3A_160, %mul3A_161 : vector<256x512xf32>
      %add3A_163 = vector.broadcast %get3A_139 : vector<1x512xf32> to vector<256x512xf32>
      %add3A_164 = arith.addf %mul3A_162, %add3A_163 : vector<256x512xf32>
      %swap3A_165 = arith.index_cast %mul3A_130 : i32 to index
      %swap3A_166 = arith.constant 0 : index
      %swap3A_167 = vector.load %arg29[%swap3A_165, %swap3A_166] : memref<2048x512xf32, #tpu.memory_space<vmem>>, vector<256x512xf32>
      tpu.vector_store %arg29[%swap3A_165, %swap3A_166], %add3A_164 {strides = array<i32>} : memref<2048x512xf32, #tpu.memory_space<vmem>>, vector<256x512xf32>,
    }
    %scan3A_128 = arith.constant 8 : i32
    return
  }
}

</mosaic_0001>

<sc_bundles>
// kernel: kernel.5.cloned.1.call-start
scs
__scs_entry_jumppad:
0x0: {  	(pc) =	sbr.rel $0x88, $3  }
0x1: {  	(tag) =	ssettag $0x0;
	lr =	simm.s32 $0x1  }
0x2: {  	[smem:$0x3F83] =	sst lr;
	_ =	strace $0xD0000000  }
0x3: {  	_ = 	snop  }
0x4: {  	_ = 	snop  }
0x5: {  	_ = 	snop  }
0x6: {  	_ = 	snop  }
0x7: {  	_ = 	snop  }
__scs_overlays_trampoline_lowered:
0x8: {  	[smem:$0x3F92] =	sst s0  }
0x9: {  	[smem:$0x3F93] =	sst s1  }
0xa: {  	[smem:$0x3F94] =	sst s2  }
0xb: {  	[smem:$0x3F95] =	sst s3  }
0xc: {  	[smem:$0x3F96] =	sst s4  }
0xd: {  	[smem:$0x3F97] =	sst s5  }
0xe: {  	[smem:$0x3F98] =	sst s6  }
0xf: {  	[smem:$0x3F99] =	sst s7  }
0x10: {  	[smem:$0x3F9A] =	sst s8  }
0x11: {  	[smem:$0x3F9B] =	sst s9;
	s0 =	simm.s32 @!p0 $0x0  }
0x12: {  	s1 =	sld [smem:$0x3F81];
	s0 =	simm.s32 @p0 $0x1  }
0x13: {  	[smem:$0x3F9C] =	sst s0;
	s0 =	simm.s32 @!p1 $0x0  }
0x14: {  	s2 =	sld [smem:$0x3F80];
	s0 =	simm.s32 @p1 $0x1  }
0x15: {  	[smem:$0x3F9D] =	sst s0;
	s0 =	simm.s32 @!p2 $0x0  }
0x16: {  	s3 =	sld [smem:$0x3FDB];
	s0 =	simm.s32 @p2 $0x1  }
0x17: {  	s4 =	simm.s32 $0x1BF5;
	[smem:$0x3F9F] =	sst s0  }
0x18: {  	s0 =	sld [smem:$0x3F82];
	_ =	swait.ge [sflag:s4], $0x0  }
0x19: {  	s7 =	sld [smem:$0x3F83]  }
0x1a: {  	s8 =	sadd.s32 $0xFFFFE003, lr  }
0x1b: {  	s9 =	sadd.s32 $0xFFFFFEF7, lr;
	s5 =	simm.s32 $0xFFFFFFFF;
	p2 =	slt.u32 s8, $0xFFFFF086  }
0x1c: {  	p1 =	slt.u32 s9, $0xF7A;
	s5 =	simm.s32 @!p2 $0x0  }
0x1d: {  	s5 =	simm.s32 @p1 $0x1;
	p0 =	seq.s32 s7, s2  }
0x1e: {  	s7 =	smul.u32 @!p0 $0xF7A, s2;
	p2 =	seq.s32 @!p0 s5, $0x0  }
0x1f: {  	s9 =	smul.u32 $0xF7A, s1;
	s8 =	simm.s32 @!p0 $0x1BF5;
	p2 =	por !p2, p0  }
0x20: {  	[sflag:s8] =	ssyncset.s32 @!p0 $0xFFFFF086;
	s6 =	sadd.s32 @!p0 s3, s7;
	s7 =	simm.s32 @!p0 $0x108  }
0x21: {  	s3 =	sadd.s32 s3, s9;
	s6 =	sadd.s32 @!p0 $0x88, s6;
	s7 =	simm.s32 @p2 $0x1082  }
0x22: {  	[simem:s7], [sflag:s8] =	dma.local @!p0 [hbm:s6], $0xF7A  }
0x23: {  	s9 =	sor.u32 $0xD0000000, s2;
	s6 =	simm.s32 $0x108;
	_ =	swait.ge @!p0 [sflag:s8], $0x0  }
0x24: {  	s3 =	sadd.s32 $0x88, s3;
	s6 =	simm.s32 @!p1 $0x1082;
	[sflag:s4] =	ssyncset.s32 $0xFFFFF086  }
0x25: {  	[simem:s6], [sflag:s4] =	dma.local [hbm:s3], $0xF7A  }
0x26: {  	[smem:$0x3F83] =	sst s1;
	(tag) =	ssettag s2;
	_ =	strace s9  }
0x27: {  	s1 =	sld [smem:$0x3F93]  }
0x28: {  	s2 =	sld [smem:$0x3F94]  }
0x29: {  	s4 =	sld [smem:$0x3F96]  }
0x2a: {  	p0 =	seq.s32 s5, $0x0;
	s5 =	sld [smem:$0x3F97]  }
0x2b: {  	s6 =	sld [smem:$0x3F98]  }
0x2c: {  	s7 =	sld [smem:$0x3F99]  }
0x2d: {  	s3 =	simm.s32 $0x108;
	s8 =	sld [smem:$0x3F9A]  }
0x2e: {  	s3 =	simm.s32 @!p0 $0x1082;
	s9 =	sld [smem:$0x3F9B]  }
0x2f: {  	lr =	sadd.s32 s0, s3;
	s0 =	sld [smem:$0x3F92]  }
0x30: {  	s3 =	sld [smem:$0x3F95]  }
0x31: {  	[smem:$0x3F9E] =	sst s10  }
0x32: {  	s10 =	sld [smem:$0x3F9C];
	_ =	sdelay $0x3  }
0x33: {  	p0 =	seq.s32 s10, $0x1;
	s10 =	sld [smem:$0x3F9E];
	_ =	sdelay $0x3  }
0x34: {  	[smem:$0x3F9E] =	sst s10  }
0x35: {  	s10 =	sld [smem:$0x3F9D];
	_ =	sdelay $0x3  }
0x36: {  	p1 =	seq.s32 s10, $0x1;
	s10 =	sld [smem:$0x3F9E];
	_ =	sdelay $0x3  }
0x37: {  	[smem:$0x3F9E] =	sst s10  }
0x38: {  	s10 =	sld [smem:$0x3F9F]  }
0x39: {  	_ = 	snop;
	(pc) =	sbr.ind lr, $3  }
0x3a: {  	_ = 	snop  }
0x3b: {  	_ = 	snop  }
0x3c: {  	p2 =	seq.s32 s10, $0x1;
	s10 =	sld [smem:$0x3F9E]  }
0x3d: {  	_ =	shalt  }
0x3e: {  	_ =	shalt  }
0x3f: {  	_ =	shalt  }
0x40: {  	_ =	shalt  }
0x41: {  	_ =	shalt  }
0x42: {  	_ =	shalt  }
0x43: {  	_ =	shalt  }
0x44: {  	_ =	shalt  }
0x45: {  	_ =	shalt  }
0x46: {  	_ =	shalt  }
0x47: {  	_ =	shalt  }
0x48: {  	_ =	shalt  }
0x49: {  	_ =	shalt  }
0x4a: {  	_ =	shalt  }
0x4b: {  	_ =	shalt  }
0x4c: {  	_ =	shalt  }
0x4d: {  	_ =	shalt  }
0x4e: {  	_ =	shalt  }
0x4f: {  	_ =	shalt  }
0x50: {  	_ =	shalt  }
0x51: {  	_ =	shalt  }
0x52: {  	_ =	shalt  }
0x53: {  	_ =	shalt  }
0x54: {  	_ =	shalt  }
0x55: {  	_ =	shalt  }
0x56: {  	_ =	shalt  }
0x57: {  	_ =	shalt  }
0x58: {  	_ =	shalt  }
0x59: {  	_ =	shalt  }
0x5a: {  	_ =	shalt  }
0x5b: {  	_ =	shalt  }
0x5c: {  	_ =	shalt  }
0x5d: {  	_ =	shalt  }
0x5e: {  	_ =	shalt  }
0x5f: {  	_ =	shalt  }
0x60: {  	_ =	shalt  }
0x61: {  	_ =	shalt  }
0x62: {  	_ =	shalt  }
0x63: {  	_ =	shalt  }
0x64: {  	_ =	shalt  }
0x65: {  	_ =	shalt  }
0x66: {  	_ =	shalt  }
0x67: {  	_ =	shalt  }
0x68: {  	_ =	shalt  }
0x69: {  	_ =	shalt  }
0x6a: {  	_ =	shalt  }
0x6b: {  	_ =	shalt  }
0x6c: {  	_ =	shalt  }
0x6d: {  	_ =	shalt  }
0x6e: {  	_ =	shalt  }
0x6f: {  	_ =	shalt  }
0x70: {  	_ =	shalt  }
0x71: {  	_ =	shalt  }
0x72: {  	_ =	shalt  }
0x73: {  	_ =	shalt  }
0x74: {  	_ =	shalt  }
0x75: {  	_ =	shalt  }
0x76: {  	_ =	shalt  }
0x77: {  	_ =	shalt  }
0x78: {  	_ =	shalt  }
0x79: {  	_ =	shalt  }
0x7a: {  	_ =	shalt  }
0x7b: {  	_ =	shalt  }
0x7c: {  	_ =	shalt  }
0x7d: {  	_ =	shalt  }
0x7e: {  	_ =	shalt  }
0x7f: {  	_ =	shalt  }
0x80: {  	_ =	shalt  }
0x81: {  	_ =	shalt  }
0x82: {  	_ =	shalt  }
0x83: {  	_ =	shalt  }
0x84: {  	_ =	shalt  }
0x85: {  	_ =	shalt  }
0x86: {  	_ =	shalt  }
0x87: {  	_ =	shalt  }
.Lfunc_end0:
.L_simem_size_0:
called_computation_lowered:
.L_overlay_start_0:
0x88: {  	s2 =	sld [smem:$0x3FD9]  }
0x89: {  	s3 =	sld [smem:$0x3FFE];
	_ =	sdelay $0x1  }
0x8a: {  	s1 =	srdreg.scid  }
0x8b: {  	s0 =	sand.u32 $0x1, s1  }
0x8c: {  	s18 =	sshll.u32 s0, $0xA;
	s2 =	sadd.s32 s3, s2  }
0x8d: {  	s2 =	sadd.s32 s2, s18  }
0x8e: {  	[smem:$0x3FAA] =	sst s2  }
0x8f: {  	_ = 	snop  }
0x90: {  	s2 =	sld [smem:$0x3FC9]  }
0x91: {  	s19 =	sld [smem:$0x3FC8]  }
0x92: {  	s4 =	sld [smem:$0x3FD0];
	(tm) =	ssettm $0x1  }
0x93: {  	s5 =	sld [smem:$0x3FFB];
	_ =	sdelay $0x3  }
0x94: {  	_ =	strace s5  }
0x95: {  	s5 =	sld [smem:$0x3FFC];
	_ =	sdelay $0x3  }
0x96: {  	_ =	strace s5  }
0x97: {  	s5 =	sld [smem:$0x3FFD];
	_ =	sdelay $0x3  }
0x98: {  	_ =	strace s5  }
0x99: {  	_ =	strace $0x8FFFFFFF  }
0x9a: {  	s20 =	sld [smem:$0x3FDB];
	_ =	sdelay $0x1  }
0x9b: {  	s6 =	simm.s32 $_scs_section_size  }
0x9c: {  	s7 =	simm.s32 $_size__tile_overlayer_lowered;
	s8 =	simm.s32 $_tile_overlayer_lowered  }
0x9d: {  	s23 =	simm.s32 $0x1BFF;
	s22 =	sshll.u32 s8, $0x1;
	s5 =	sadd.s32 s6, s20  }
0x9e: {  	s9 =	simm.s32 $0x0;
	s21 =	sshll.u32 s7, $0x1;
	s7 =	sadd.s32 s22, s5  }
0x9f: {  	[timem:s9], [sflag:s23] =	dma.local [hbm:s7], s21  }
0xa0: {  	_ =	swait.ge [sflag:s23], s21  }
0xa1: {  	s6 =	ssub.s32 $0x0, s21;
	[sflag:s23] =	ssyncset.done $0x0  }
0xa2: {  	[sflag:s23] =	ssyncadd.s32 s6;
	_ =	sdelay $0x1  }
0xa3: {  	s24 =	simm.s32 $0x1B8B  }
0xa4: {  	_ =	swait.ge [sflag:s24], $0x1  }
0xa5: {  	[sflag:s24] =	ssyncset.done $0x0  }
0xa6: {  	s25 =	simm.s32 $0x1B8E;
	[sflag:s24] =	ssyncadd.s32 $0xFFFFFFFF  }
0xa7: {  	s26 =	simm.s32 $execute0_lowered;
	[smem:$0x3FD2] =	sst s25  }
0xa8: {  	s6 =	sshll.u32 s26, $0x1;
	_ =	strace $0x80000046;
	[dreg:$0x1] =	wrdreg $0xFFFFFFFF  }
0xa9: {  	s28 =	simm.s32 $_size_execute0_lowered;
	s5 =	sadd.s32 s5, s6;
	[dreg:$0x0] =	wrdreg $0x0  }
0xaa: {  	s6 =	sshll.u32 s28, $0x1;
	[dreg:$0x2] =	wrdreg s5  }
0xab: {  	[dreg:$0x3] =	wrdreg s6  }
0xac: {  	[dreg:$0x4] =	wrdreg $0xC0  }
0xad: {  	_ =	task [dreg:s9], $0x5FFFF  }
0xae: {  	[dreg:$0x1] =	wrdreg $0xFFFFFFFF  }
0xaf: {  	[dreg:$0x0] =	wrdreg $0x60  }
0xb0: {  	[dreg:$0x2] =	wrdreg s19  }
0xb1: {  	[dreg:$0x3] =	wrdreg s2  }
0xb2: {  	[dreg:$0x4] =	wrdreg s4  }
0xb3: {  	[dreg:$0x5] =	wrdreg $0x9  }
0xb4: {  	_ =	task.clear_ibuf [dreg:s9], $0x6FFFF;
	_ =	strace $0x90000046  }
0xb5: {  	s29 =	simm.s32 $0x9;
	_ =	strace $0x80000048  }
0xb6: {  	_ =	swait.ge [sflag:s29], $0x1  }
0xb7: {  	[sflag:s29] =	ssyncadd.s32 $0xFFFFFFFF  }
0xb8: {  	_ =	strace $0x90000048  }
0xb9: {  	_ =	sfence  }
0xba: {  	s30 =	sld [smem:$0x0];
	_ =	sdelay $0x2  }
0xbb: {  	s31 =	sshll.u32 s1, $0xD;
	s1 =	sshrl.u32 s1, $0x2  }
0xbc: {  	s3 =	sand.u32 $0x4000, s31;
	s1 =	sadd.s32 s1, s30  }
0xbd: {  	s0 =	sor.u32 s3, s0;
	s1 =	sshll.u32 s1, $0x11  }
0xbe: {  	s0 =	sor.u32 s1, s0  }
0xbf: {  	s0 =	sadd.s32 $0x8F2B, s0  }
0xc0: {  	[sflag:s0] =	ssyncadd.remote.s32 $0x1  }
0xc1: {  	_ =	sfence.sel $0xFFFF  }
0xc2: {  	[dreg:$0x0] =	wrdreg $0xFFFFFFFF;
	(pc) =	sbr.abs _section_cstart, $3  }
0xc3: {  	[dreg:$0x1] =	wrdreg $0xFFFFFFFF  }
0xc4: {  	_ =	task.clear_ibuf [dreg:s9], $0x2FFFF;
	_ =	strace $0x9FFFFFFF  }
0xc5: {  	(tm) =	ssettm $0x7FFFFFFF  }
tec
execute0_lowered:
.L_overlay_start_1:
0x0: {  	(tag) =	ssettag $0x1  }
0x1: {  	s1 =	rddreg [dreg:$0x0]  }
0x2: {  	s4 =	rddreg [dreg:$0x1]  }
0x3: {  	s6 =	rddreg [dreg:$0x2];
	s3 =	srdreg.scid  }
0x4: {  	s0 =	rddreg [dreg:$0x3];
	s2 =	stileid.u32;
	s10 =	simm.s32 $0x880  }
0x5: {  	s11 =	simm.s32 $0x1080;
	s12 =	simm.s32 $0x1880;
	s13 =	simm.s32 $0x2080  }
0x6: {  	s14 =	simm.s32 $0x2880;
	s15 =	simm.s32 $0x3080;
	s16 =	simm.s32 $0x3880  }
0x7: {  	s17 =	simm.s32 $0x4080;
	s18 =	simm.s32 $0x4880;
	s19 =	simm.s32 $0x5080  }
0x8: {  	s20 =	simm.s32 $0x5880;
	s21 =	simm.s32 $0x6080;
	s22 =	simm.s32 $0x6880  }
0x9: {  	s23 =	simm.s32 $0x7080;
	s24 =	simm.s32 $0x7880;
	s25 =	simm.s32 $0x1  }
0xa: {  	s5 =	sand.u32 $0x1, s3;
	s3 =	simm.s32 $0x0;
	s7 =	sshll.u32 s2, $0x7  }
0xb: {  	s8 =	sshll.u32 s5, $0x6;
	[smem:$0x7FF] =	sst s3;
	s5 =	ssub.s32 $0x2, s5  }
0xc: {  	s7 =	sor.u32 s8, s7;
	_ =	strace $0x80000047;
	s31 =	sshrl.u32 s5, $0x1  }
0xd: {  	v2 =	vlaneseq.u32;
	s9 =	sshrl.u32 s7, $0x3;
	s8 =	ssub.s32 s5, s31;
	s7 =	sshll.u32 s7, $0x6  }
0xe: {  	vm0 =	vmmov $0xffff;
	v1 =	vshrl.u32 v2, $0x3;
	s5 =	sadd.s32 $0x100, s1;
	s4 =	sadd.s32 s4, s9;
	s6 =	sadd.s32 s6, s7  }
0xf: {  	v0 =	vand.u32 $0x7, v2;
	v2 =	vor.u32 $0x8, v2;
	v1 =	vmul.u32 $0x8, v1;
	s7 =	smax.u32 s8, $0x1;
	s8 =	simm.s32 $0x2;
	s9 =	simm.s32 $0x80  }
.LBB2_1:
0x10: {  	[tilespmem:s3], [sflag:$0x2] =	stream.linear.gather [hbm4b:s4+s3], $0x40, $0x38;
	[tilespmem:$0x8080] =	vst v63  }
0x11: {  	_ =	swait.ge [sflag:s8], $0x40  }
0x12: {  	[sflag:s8] =	ssyncset.done $0x0  }
0x13: {  	[sflag:s8] =	ssyncadd.s32 $0xFFFFFFC0  }
0x14: {  	v3 =	vld [tilespmem:$0x0];
	_ =	sdelay $0x4  }
0x15: {  	v4 =	vshll.u32 v3, $0x2  }
0x16: {  	v3 =	vand.u32 $0x7, v3;
	v4 =	vand.u32 $0xFFFFFFE0, v4  }
0x17: {  	v3 =	vor.u32 v3, v4  }
0x18: {  	v4 =	vperm.xlane v3, v0;
	_ =	sdelay $0x1  }
0x19: {  	v4 =	vadd.s32 v1, v4;
	_ =	sdelay $0x1  }
0x1a: {  	v3 =	vperm.xlane v3, v2;
	_ =	sdelay $0x1  }
0x1b: {  	v3 =	vadd.s32 v1, v3  }
0x1c: {  	[tilespmem:s9], [sflag:$0x1] =	stream.indirect_vreg.gather [hbm4b:s1+s3], $0x80, v4, vm0, $0xb8;
	[tilespmem:$0x8080] =	vst v63  }
0x1d: {  	_ = 	snop  }
0x1e: {  	[tilespmem:s10], [sflag:$0x1] =	stream.indirect_vreg.gather [hbm4b:s5+s3], $0x80, v4, vm0, $0xb8;
	[tilespmem:$0x8080] =	vst v63  }
0x1f: {  	_ = 	snop  }
0x20: {  	[tilespmem:s11], [sflag:$0x1] =	stream.indirect_vreg.gather [hbm4b:s1+s3], $0x80, v3, vm0, $0xb8;
	[tilespmem:$0x8080] =	vst v63  }
0x21: {  	_ = 	snop  }
0x22: {  	[tilespmem:s12], [sflag:$0x1] =	stream.indirect_vreg.gather [hbm4b:s5+s3], $0x80, v3, vm0, $0xb8;
	[tilespmem:$0x8080] =	vst v63  }
0x23: {  	v3 =	vld [tilespmem:$0x10];
	_ =	sdelay $0x4  }
0x24: {  	v61 =	vshll.u32 v3, $0x2  }
0x25: {  	v3 =	vand.u32 $0x7, v3;
	v4 =	vand.u32 $0xFFFFFFE0, v61  }
0x26: {  	v3 =	vor.u32 v3, v4  }
0x27: {  	v4 =	vperm.xlane v3, v0;
	_ =	sdelay $0x1  }
0x28: {  	v4 =	vadd.s32 v1, v4;
	_ =	sdelay $0x1  }
0x29: {  	v3 =	vperm.xlane v3, v2;
	_ =	sdelay $0x1  }
0x2a: {  	v3 =	vadd.s32 v1, v3  }
0x2b: {  	[tilespmem:s13], [sflag:$0x1] =	stream.indirect_vreg.gather [hbm4b:s1+s3], $0x80, v4, vm0, $0xb8;
	[tilespmem:$0x8080] =	vst v63  }
0x2c: {  	_ = 	snop  }
0x2d: {  	[tilespmem:s14], [sflag:$0x1] =	stream.indirect_vreg.gather [hbm4b:s5+s3], $0x80, v4, vm0, $0xb8;
	[tilespmem:$0x8080] =	vst v63  }
0x2e: {  	_ = 	snop  }
0x2f: {  	[tilespmem:s15], [sflag:$0x1] =	stream.indirect_vreg.gather [hbm4b:s1+s3], $0x80, v3, vm0, $0xb8;
	[tilespmem:$0x8080] =	vst v63  }
0x30: {  	_ = 	snop  }
0x31: {  	[tilespmem:s16], [sflag:$0x1] =	stream.indirect_vreg.gather [hbm4b:s5+s3], $0x80, v3, vm0, $0xb8;
	[tilespmem:$0x8080] =	vst v63  }
0x32: {  	v3 =	vld [tilespmem:$0x20];
	_ =	sdelay $0x4  }
0x33: {  	v62 =	vshll.u32 v3, $0x2  }
0x34: {  	v3 =	vand.u32 $0x7, v3;
	v4 =	vand.u32 $0xFFFFFFE0, v62  }
0x35: {  	v3 =	vor.u32 v3, v4  }
0x36: {  	v4 =	vperm.xlane v3, v0;
	_ =	sdelay $0x1  }
0x37: {  	v4 =	vadd.s32 v1, v4;
	_ =	sdelay $0x1  }
0x38: {  	v3 =	vperm.xlane v3, v2;
	_ =	sdelay $0x1  }
0x39: {  	v3 =	vadd.s32 v1, v3  }
0x3a: {  	[tilespmem:s17], [sflag:$0x1] =	stream.indirect_vreg.gather [hbm4b:s1+s3], $0x80, v4, vm0, $0xb8;
	[tilespmem:$0x8080] =	vst v63  }
0x3b: {  	_ = 	snop  }
0x3c: {  	[tilespmem:s18], [sflag:$0x1] =	stream.indirect_vreg.gather [hbm4b:s5+s3], $0x80, v4, vm0, $0xb8;
	[tilespmem:$0x8080] =	vst v63  }
0x3d: {  	_ = 	snop  }
0x3e: {  	[tilespmem:s19], [sflag:$0x1] =	stream.indirect_vreg.gather [hbm4b:s1+s3], $0x80, v3, vm0, $0xb8;
	[tilespmem:$0x8080] =	vst v63  }
0x3f: {  	_ = 	snop  }
0x40: {  	[tilespmem:s20], [sflag:$0x1] =	stream.indirect_vreg.gather [hbm4b:s5+s3], $0x80, v3, vm0, $0xb8;
	[tilespmem:$0x8080] =	vst v63  }
0x41: {  	v3 =	vld [tilespmem:$0x30];
	_ =	sdelay $0x4  }
0x42: {  	v63 =	vshll.u32 v3, $0x2  }
0x43: {  	v3 =	vand.u32 $0x7, v3;
	v4 =	vand.u32 $0xFFFFFFE0, v63  }
0x44: {  	v3 =	vor.u32 v3, v4  }
0x45: {  	v4 =	vperm.xlane v3, v0;
	_ =	sdelay $0x1  }
0x46: {  	v4 =	vadd.s32 v1, v4;
	_ =	sdelay $0x1  }
0x47: {  	v3 =	vperm.xlane v3, v2;
	_ =	sdelay $0x1  }
0x48: {  	v3 =	vadd.s32 v1, v3  }
0x49: {  	[tilespmem:s21], [sflag:$0x1] =	stream.indirect_vreg.gather [hbm4b:s1+s3], $0x80, v4, vm0, $0xb8;
	[tilespmem:$0x8080] =	vst v63  }
0x4a: {  	_ = 	snop  }
0x4b: {  	[tilespmem:s22], [sflag:$0x1] =	stream.indirect_vreg.gather [hbm4b:s5+s3], $0x80, v4, vm0, $0xb8;
	[tilespmem:$0x8080] =	vst v63  }
0x4c: {  	_ = 	snop  }
0x4d: {  	[tilespmem:s23], [sflag:$0x1] =	stream.indirect_vreg.gather [hbm4b:s1+s3], $0x80, v3, vm0, $0xb8;
	[tilespmem:$0x8080] =	vst v63  }
0x4e: {  	_ = 	snop  }
0x4f: {  	[tilespmem:s24], [sflag:$0x1] =	stream.indirect_vreg.gather [hbm4b:s5+s3], $0x80, v3, vm0, $0xb8;
	[tilespmem:$0x8080] =	vst v63  }
0x50: {  	_ =	swait.ge [sflag:s25], $0x8000  }
0x51: {  	p0 =	sne.s32 s7, $0x1;
	[sflag:s25] =	ssyncset.done $0x0  }
.Ltmp0:
0x52: {  	[sflag:s25] =	ssyncadd.s32 $0xFFFF8000;
	(pc) =	sbr.rel @p0 .LBB2_1-.Ltmp0, $4  }
0x53: {  	[hbm4b:s6+s3] =	stream.linear.scatter [tilespmem:s9], [sflag:$0x2], $0x8000, $0x38;
	[tilespmem:$0x8080] =	vst v63  }
0x54: {  	_ =	swait.ge [sflag:s8], $0x8000  }
0x55: {  	[sflag:s8] =	ssyncset.done $0x0  }
0x56: {  	s7 =	sadd.s32 $0xFFFFFFFF, s7;
	[sflag:s8] =	ssyncadd.s32 $0xFFFF8000  }
0x57: {  	_ =	sfence.sel $0x180000  }
0x58: {  	[bflag:$0x0] =	sbarrier.arrive $0xFFFF  }
0x59: {  	p0 =	sne.s32 s2, $0x0;
	_ =	strace $0x90000047  }
0x5a: {  	s0 =	sadd.s32 @!p0 $0x100000, s0;
	[bflag:$0x2] =	sbarrier.arrive $0xFFFF  }
0x5b: {  	[sflag:s0] =	ssyncadd.tile.s32 @!p0 $0x1;
	_ =	shalt  }
.Lfunc_end2:
_tile_overlayer_lowered:
.L_overlay_start_2:
0x5c: {  	(tag) =	ssettag $0x2  }
0x5d: {  	s0 =	rddreg [dreg:$0x0];
	s2 =	stileid.u32  }
0x5e: {  	s1 =	rddreg [dreg:$0x1];
	p0 =	sne.s32 s2, $0x0  }
0x5f: {  	s3 =	rddreg [dreg:$0x2];
	[bflag:$0x3] =	sbarrier.arrive $0xFFFF;
	s2 =	simm.s32 @!p0 $0x1C02  }
0x60: {  	[timem:s3], [sflag:s2] =	dma.local @!p0 [hbm:s0], s1  }
0x61: {  	s0 =	simm.s32 @!p0 $0x2  }
0x62: {  	_ =	swait.ge @!p0 [sflag:s0], s1  }
0x63: {  	s1 =	ssub.s32 @!p0 $0x0, s1;
	[sflag:s0] =	ssyncset.done @!p0 $0x0  }
0x64: {  	[sflag:s0] =	ssyncadd.s32 @!p0 s1  }
0x65: {  	[bflag:$0x3] =	sbarrier.arrive $0xFFFF  }
0x66: {  	_ =	shalt  }

</sc_bundles>
